<compile_context>
chip_gen: v7x
topology: tpu7x:2x2x1
jax: 0.10.2.dev20260603
libtpu: 0.0.44.dev20260713+nightly
codegen_flags: <defaults>
</compile_context>

<pallas_src>
import functools

import jax
import jax.numpy as jnp
from jax import lax
from jax.experimental import pallas as pl
from jax.experimental.pallas import tpu as pltpu
from jax.experimental.pallas import tpu_sc as plsc

_CONF = 0.9


def _sc_sparse(output, originflat, target, consts):
    B, V = output.shape
    (PL,) = originflat.shape
    NC, NS = 2, 16
    NW = NC * NS
    P = 8
    L = PL // P
    RPW = B // NW
    CH = L // 16
    DEPTH = 2

    mesh = plsc.VectorSubcoreMesh(core_axis_name="c", subcore_axis_name="s")

    scratch = [
        pltpu.VMEM((PL,), jnp.int32),
        pltpu.VMEM((PL // 16 + 16,), jnp.int32),
        pltpu.VMEM((V,), jnp.int32),
        pltpu.VMEM((B + 16,), jnp.int32),
        pltpu.VMEM((32,), jnp.int32),
        pltpu.VMEM((RPW * 16,), jnp.float32),
        pltpu.VMEM((RPW,), jnp.float32),
        pltpu.VMEM((RPW,), jnp.float32),
        pltpu.VMEM((RPW,), jnp.float32),
    ]
    for _ in range(DEPTH):
        scratch += [pltpu.VMEM((V,), jnp.float32)]
    scratch += [pltpu.SemaphoreType.DMA] * DEPTH
    scratch += [pltpu.SemaphoreType.DMA]

    @functools.partial(
        pl.kernel,
        out_type=(
            jax.ShapeDtypeStruct((NW, RPW), jnp.float32),
            jax.ShapeDtypeStruct((NW, RPW), jnp.float32),
            jax.ShapeDtypeStruct((NW, RPW), jnp.float32),
        ),
        mesh=mesh,
        compiler_params=pltpu.CompilerParams(needs_layout_passes=False),
        scratch_types=scratch,
    )
    def sc(out_h, origin_h, target_h, consts_h,
           s_h, n_h, tv_h,
           origin_v, islast_v, table_v, target_v, consts_v,
           tvrow_v, sres_v, nres_v, tvres_v, *bufs):
        rowbufs = list(bufs[:DEPTH])
        sems = list(bufs[DEPTH:2 * DEPTH])
        tvsem = bufs[2 * DEPTH]
        w = lax.axis_index("s") * NC + lax.axis_index("c")
        pltpu.sync_copy(origin_h, origin_v)
        pltpu.sync_copy(target_h, target_v.at[pl.ds(0, B)])
        pltpu.sync_copy(consts_h, consts_v.at[pl.ds(0, 16)])
        base = consts_v[pl.ds(0, 16)][0]
        lane = lax.iota(jnp.int32, 16)
        lane0 = lane == 0

        def zt(k, c2):
            table_v[pl.ds(k * 16, 16)] = jnp.zeros((16,), jnp.int32)
            return c2

        lax.fori_loop(0, V // 16, zt, 0)

        def phase0(p, c):
            pL = p * L

            def scat(ch, c2):
                v16 = origin_v[pl.ds(pL + ch * 16, 16)]
                j16 = ch * 16 + lane + 1
                for l in range(16):
                    plsc.store_scatter(table_v, [v16], j16, mask=lane == l)
                return c2

            lax.fori_loop(0, CH, scat, 0)

            def il(ch, c2):
                v16 = origin_v[pl.ds(pL + ch * 16, 16)]
                lp = plsc.load_gather(table_v, [v16])
                good = (lp == ch * 16 + lane + 1) & (v16 != 0)
                word = jnp.sum(jnp.where(
                    good, lax.shift_left(jnp.int32(1), lane), 0))
                plsc.store_scatter(
                    islast_v, [jnp.full((16,), p * CH + ch, jnp.int32)],
                    jnp.full((16,), word, jnp.int32), mask=lane0)
                return c2

            lax.fori_loop(0, CH, il, 0)

            def clr(ch, c2):
                v16 = origin_v[pl.ds(pL + ch * 16, 16)]
                plsc.store_scatter(table_v, [v16], jnp.zeros((16,), jnp.int32))
                return c2

            lax.fori_loop(0, CH, clr, 0)
            return c

        lax.fori_loop(0, P, phase0, 0)

        def zero_res(k, c):
            sres_v[pl.ds(k * 16, 16)] = jnp.zeros((16,), jnp.float32)
            nres_v[pl.ds(k * 16, 16)] = jnp.zeros((16,), jnp.float32)
            return c

        lax.fori_loop(0, RPW // 16, zero_res, 0)

        def row_params(r):
            qq = r // P
            p = r % P
            q = w + NW * qq
            i = P * q + p
            temp = base + q
            tl = consts_v[pl.ds(1 + p, 16)][0]
            act = temp < tl - 2
            return p, i, temp, act

        def prep(r, rowbuf, sem):
            p, i, temp, act = row_params(r)
            t = target_v[pl.ds(i, 16)][0]
            talign = (t // 16) * 16
            pltpu.async_copy(out_h.at[i, pl.ds(talign, 16)],
                             tvrow_v.at[pl.ds(r * 16, 16)], tvsem)

            @pl.when(act)
            def _():
                pltpu.async_copy(out_h.at[i], rowbuf, sem)

        def cons(r, rowbuf, sem):
            p, i, temp, act = row_params(r)
            t = target_v[pl.ds(i, 16)][0]
            pL = p * L

            @pl.when(act)
            def _():
                pltpu.make_async_copy(out_h.at[i], rowbuf, sem).wait()

                def acc(ch, carry):
                    s_acc, n_acc = carry
                    o = ch * 16
                    v16 = origin_v[pl.ds(pL + o, 16)]
                    word = islast_v[pl.ds(p * CH + ch, 16)][0]
                    bit = lax.shift_right_logical(
                        jnp.full((16,), word, jnp.int32), lane) & 1
                    good = ((bit != 0) & (o + lane >= temp) & (v16 != t))
                    g = plsc.load_gather(rowbuf, [v16])
                    return (s_acc + jnp.where(good, g, 0.0),
                            n_acc + jnp.where(good, 1.0, 0.0))

                s_acc, n_acc = lax.fori_loop(
                    temp // 16, CH, acc,
                    (jnp.zeros((16,), jnp.float32),
                     jnp.zeros((16,), jnp.float32)))
                r16 = jnp.full((16,), r, jnp.int32)
                plsc.store_scatter(
                    sres_v, [r16],
                    jnp.full((16,), jnp.sum(s_acc), jnp.float32), mask=lane0)
                plsc.store_scatter(
                    nres_v, [r16],
                    jnp.full((16,), jnp.sum(n_acc), jnp.float32), mask=lane0)

        for b in range(DEPTH):
            prep(b, rowbufs[b], sems[b])

        def row_loop(rr, c):
            for b in range(DEPTH):
                r = DEPTH * rr + b
                cons(r, rowbufs[b], sems[b])

                @pl.when(r + DEPTH < RPW)
                def _(b=b, r=r):
                    prep(r + DEPTH, rowbufs[b], sems[b])
            return c

        lax.fori_loop(0, RPW // DEPTH, row_loop, 0)

        def tvfin(r, c):
            p, i, temp, act = row_params(r)
            t = target_v[pl.ds(i, 16)][0]
            talign = (t // 16) * 16
            pltpu.make_async_copy(out_h.at[i, pl.ds(talign, 16)],
                                  tvrow_v.at[pl.ds(r * 16, 16)], tvsem).wait()
            v16 = tvrow_v[pl.ds(r * 16, 16)]
            tvv = jnp.sum(jnp.where(lane == t - talign, v16, 0.0))
            plsc.store_scatter(tvres_v, [jnp.full((16,), r, jnp.int32)],
                               jnp.full((16,), tvv, jnp.float32), mask=lane0)
            return c

        lax.fori_loop(0, RPW, tvfin, 0)

        pltpu.sync_copy(sres_v, s_h.at[w])
        pltpu.sync_copy(nres_v, n_h.at[w])
        pltpu.sync_copy(tvres_v, tv_h.at[w])

    return sc(output, originflat, target, consts)


def _tc_lse(output):
    B, V = output.shape
    R = 128
    RB = B // R

    def body(x_r, lse_r):
        x = x_r[...]
        m = jnp.max(x, axis=1, keepdims=True)
        d = jnp.sum(jnp.exp(x - m), axis=1, keepdims=True)
        lse_r[0] = m + jnp.log(d)

    return pl.pallas_call(
        body,
        grid=(RB,),
        in_specs=[pl.BlockSpec((R, V), lambda rb: (rb, 0))],
        out_specs=pl.BlockSpec((1, R, 1), lambda rb: (rb, 0, 0)),
        out_shape=jax.ShapeDtypeStruct((RB, R, 1), jnp.float32),
        compiler_params=pltpu.CompilerParams(
            vmem_limit_bytes=100 * 1024 * 1024),
    )(output)


def _tc_combine(lse2, s2, n2, tv2, tgt2, basearr, tlen2, p_const):
    RB, R = lse2.shape

    def body(base_r, tlen_r, lse_r, s_r, n_r, tv_r, t_r, loss_r):
        d0 = lax.broadcasted_iota(jnp.int32, (RB, R), 0)
        d1 = lax.broadcasted_iota(jnp.int32, (RB, R), 1)
        i = d0 * R + d1
        p = i % p_const
        q = i // p_const
        temp = base_r[0, 0] + q
        tl = jnp.zeros((RB, R), jnp.int32)
        for k in range(p_const):
            tl = tl + jnp.where(p == k, tlen_r[0, k], 0)
        act = temp < tl - 2
        t = t_r[...]
        lse = lse_r[...]
        wgt = jnp.where(t != 0, _CONF, 0.0)
        den = jnp.where(act, tl.astype(jnp.float32)
                        - temp.astype(jnp.float32) - 2.0, 1.0)
        csm = jnp.where(act & (t != 0), _CONF / den, 0.0)
        contrib = wgt * (tv_r[...] - lse) + csm * (s_r[...] - n_r[...] * lse)
        loss_r[0, 0] = -jnp.sum(contrib)

    return pl.pallas_call(
        body,
        in_specs=[
            pl.BlockSpec(memory_space=pltpu.SMEM),
            pl.BlockSpec(memory_space=pltpu.SMEM),
            pl.BlockSpec((RB, R), lambda: (0, 0)),
            pl.BlockSpec((RB, R), lambda: (0, 0)),
            pl.BlockSpec((RB, R), lambda: (0, 0)),
            pl.BlockSpec((RB, R), lambda: (0, 0)),
            pl.BlockSpec((RB, R), lambda: (0, 0)),
        ],
        out_specs=pl.BlockSpec(memory_space=pltpu.SMEM),
        out_shape=jax.ShapeDtypeStruct((1, 1), jnp.float32),
    )(basearr, tlen2, lse2, s2, n2, tv2, tgt2)


def kernel(output, target, shard_size, target_len, origin, part, now):
    B, V = output.shape
    P, L = origin.shape
    base = (jnp.asarray(now, jnp.int32)
            * jnp.asarray(shard_size, jnp.int32))
    tgt = target.astype(jnp.int32)
    tlen = target_len.astype(jnp.int32)
    consts = jnp.concatenate(
        [base.reshape(1), tlen, jnp.zeros((16 - 1 - P,), jnp.int32)])

    s2d, n2d, tv2d = _sc_sparse(output, origin.astype(jnp.int32).reshape(-1),
                                tgt, consts)
    lse3 = _tc_lse(output)
    RB = 16
    R = B // RB
    NW = 32

    def nat(x):
        return (x.reshape(NW, B // NW // P, P)
                 .transpose(1, 0, 2).reshape(RB, R))

    loss = _tc_combine(lse3.reshape(RB, R), nat(s2d), nat(n2d), nat(tv2d),
                       tgt.reshape(RB, R), base.reshape(1, 1),
                       tlen.reshape(1, P), P)
    return loss[0, 0]

# --- scband reference (transcript-rebuilt; emitter-appended) ---
"""Pipeline reference for scband-label-smoothing-loss-16621523435890 (READ-ONLY COPY).

The authoritative reference and input builder live on the scoring server;
editing this copy changes nothing except your own understanding.
"""

import jax
import jax.numpy as jnp
import numpy as np

LABEL_SMOOTHING = 0.1
TGT_DICT_SIZE = 32000
PADDING_IDX = 0
CONFIDENCE = 1.0 - LABEL_SMOOTHING


def setup_inputs(seed: int = 0) -> dict:
    key = jax.random.key(seed)
    k1, k2, k3, k4 = jax.random.split(key, 4)
    B = 4096
    V = TGT_DICT_SIZE
    PART = 8
    MAXLEN = 2048
    output = jax.random.normal(k1, (B, V), dtype=jnp.float32)
    target = jax.random.randint(k2, (B,), 0, V, dtype=jnp.int32)
    target_len = jax.random.randint(k3, (PART,), 0, MAXLEN, dtype=jnp.int32)
    origin = jax.random.randint(k4, (PART, MAXLEN), 0, V, dtype=jnp.int32)
    return {
        "output": output,
        "target": target,
        "shard_size": 512,
        "target_len": target_len,
        "origin": origin,
        "part": PART,
        "now": 2,
    }


def reference(output, target, shard_size, target_len, origin, part, now):
    B, V = output.shape
    L = origin.shape[1]
    i = jnp.arange(B)
    p = i % part
    temp = now * shard_size + i // part            # [B] token position per row
    tl = target_len[p]                             # [B]
    active = temp < (tl - 2)                       # rows that enter the else branch
    # origin[p][temp:] = CONFIDENCE, vectorized: mask positions >= temp, scatter into vocab
    pos_mask = jnp.arange(L)[None, :] >= temp[:, None]   # [B, L]
    gathered = origin[p]                                 # [B, L]
    idx = jnp.where(pos_mask, gathered, V)               # out-of-range -> dropped
    row_ids = jnp.broadcast_to(i[:, None], (B, L))
    model_prob = jnp.zeros((B, V), jnp.float32)
    model_prob = model_prob.at[row_ids, idx].set(CONFIDENCE, mode="drop")
    # model_prob[i][0] = 0
    model_prob = model_prob.at[:, 0].set(0.0)
    # model_prob[i] /= target_len[p].float() - temp - 2
    denom = tl.astype(jnp.float32) - temp.astype(jnp.float32) - 2.0
    model_prob = model_prob / jnp.where(active, denom, 1.0)[:, None]
    # rows with temp >= target_len - 2 are skipped (stay zero)
    model_prob = jnp.where(active[:, None], model_prob, 0.0)
    # model_prob.scatter_(1, target.unsqueeze(1), confidence)
    model_prob = model_prob.at[i, target].set(CONFIDENCE)
    # model_prob.masked_fill_((target == padding_idx).unsqueeze(1), 0)
    model_prob = jnp.where((target == PADDING_IDX)[:, None], 0.0, model_prob)
    logp = jax.nn.log_softmax(output, axis=-1)
    loss = -jnp.sum(logp * model_prob)
    return loss

if __name__ == "__main__":
    import jax
    _d = setup_inputs()
    print(jax.jit(kernel)(*tuple(_d.values())))

</pallas_src>

<mosaic_0001>
#map = affine_map<(d0, d1) -> (0, 0)>
#map1 = affine_map<(d0, d1) -> (0)>
module attributes {stable_mosaic.version = 14 : i64} {
  func.func @sc(%arg0: i32, %arg1: i32, %arg2: memref<4096x32000xf32, #tpu.memory_space<hbm>>, %arg3: memref<16384xi32, #tpu.memory_space<hbm>>, %arg4: memref<4096xi32, #tpu.memory_space<hbm>>, %arg5: memref<16xi32, #tpu.memory_space<hbm>>, %arg6: memref<32x128xf32, #tpu.memory_space<hbm>>, %arg7: memref<32x128xf32, #tpu.memory_space<hbm>>, %arg8: memref<32x128xf32, #tpu.memory_space<hbm>>, %arg9: memref<16384xi32, #tpu.memory_space<vmem>>, %arg10: memref<1040xi32, #tpu.memory_space<vmem>>, %arg11: memref<32000xi32, #tpu.memory_space<vmem>>, %arg12: memref<4112xi32, #tpu.memory_space<vmem>>, %arg13: memref<32xi32, #tpu.memory_space<vmem>>, %arg14: memref<2048xf32, #tpu.memory_space<vmem>>, %arg15: memref<128xf32, #tpu.memory_space<vmem>>, %arg16: memref<128xf32, #tpu.memory_space<vmem>>, %arg17: memref<128xf32, #tpu.memory_space<vmem>>, %arg18: memref<32000xf32, #tpu.memory_space<vmem>>, %arg19: memref<32000xf32, #tpu.memory_space<vmem>>, %arg20: memref<!tpu.dma_semaphore, #tpu.memory_space<semaphore_mem>>, %arg21: memref<!tpu.dma_semaphore, #tpu.memory_space<semaphore_mem>>, %arg22: memref<!tpu.dma_semaphore, #tpu.memory_space<semaphore_mem>>) attributes {dimension_semantics = [#tpu.dimension_semantics<core_parallel>, #tpu.dimension_semantics<subcore_parallel>], iteration_bounds = array<i64: 2, 16>, scalar_prefetch = 0 : i64, scratch_operands = 14 : i64, tpu.core_type = #tpu.core_type<sc_vector_subcore>, window_params = [{transform_indices = #map}, {transform_indices = #map1}, {transform_indices = #map1}, {transform_indices = #map1}, {transform_indices = #map}, {transform_indices = #map}, {transform_indices = #map}]} {
    %mul3A = arith.constant 2 : i32
    %mul3A_0 = arith.muli %arg1, %mul3A : i32
    %add3A = arith.addi %mul3A_0, %arg0 : i32
    "tpu.region"() ({
      %run_scoped3A = tpu.sem_alloc : memref<!tpu.dma_semaphore, #tpu.memory_space<semaphore_mem>>
      tpu.enqueue_dma source(%arg3 : memref<16384xi32, #tpu.memory_space<hbm>>) target(%arg9 : memref<16384xi32, #tpu.memory_space<vmem>>) target_semaphore(%run_scoped3A : memref<!tpu.dma_semaphore, #tpu.memory_space<semaphore_mem>>)
      tpu.wait_dma2 semaphore(%run_scoped3A : memref<!tpu.dma_semaphore, #tpu.memory_space<semaphore_mem>>) src(%arg3 : memref<16384xi32, #tpu.memory_space<hbm>>) dst(%arg9 : memref<16384xi32, #tpu.memory_space<vmem>>)
      tpu.yield
    }) : () -> ()
    "tpu.region"() ({
      %run_scoped3A = tpu.sem_alloc : memref<!tpu.dma_semaphore, #tpu.memory_space<semaphore_mem>>
      %dma_start3A_131 = arith.constant 0 : i32
      %dma_start3A_132 = tpu.memref_slice %arg12[%dma_start3A_131] : memref<4112xi32, #tpu.memory_space<vmem>> -> memref<4096xi32, #tpu.memory_space<vmem>>
      %dma_start3A_133 = arith.constant 0 : i32
      %dma_start3A_134 = tpu.memref_slice %arg12[%dma_start3A_133] : memref<4112xi32, #tpu.memory_space<vmem>> -> memref<4096xi32, #tpu.memory_space<vmem>>
      tpu.enqueue_dma source(%arg4 : memref<4096xi32, #tpu.memory_space<hbm>>) target(%dma_start3A_134 : memref<4096xi32, #tpu.memory_space<vmem>>) target_semaphore(%run_scoped3A : memref<!tpu.dma_semaphore, #tpu.memory_space<semaphore_mem>>)
      %dma_wait3A = arith.constant 0 : i32
      %dma_wait3A_135 = tpu.memref_slice %arg12[%dma_wait3A] : memref<4112xi32, #tpu.memory_space<vmem>> -> memref<4096xi32, #tpu.memory_space<vmem>>
      %dma_wait3A_136 = arith.constant 0 : i32
      %dma_wait3A_137 = tpu.memref_slice %arg12[%dma_wait3A_136] : memref<4112xi32, #tpu.memory_space<vmem>> -> memref<4096xi32, #tpu.memory_space<vmem>>
      tpu.wait_dma2 semaphore(%run_scoped3A : memref<!tpu.dma_semaphore, #tpu.memory_space<semaphore_mem>>) src(%arg4 : memref<4096xi32, #tpu.memory_space<hbm>>) dst(%dma_wait3A_137 : memref<4096xi32, #tpu.memory_space<vmem>>)
      tpu.yield
    }) : () -> ()
    "tpu.region"() ({
      %run_scoped3A = tpu.sem_alloc : memref<!tpu.dma_semaphore, #tpu.memory_space<semaphore_mem>>
      %dma_start3A_131 = arith.constant 0 : i32
      %dma_start3A_132 = tpu.memref_slice %arg13[%dma_start3A_131] : memref<32xi32, #tpu.memory_space<vmem>> -> memref<16xi32, #tpu.memory_space<vmem>>
      %dma_start3A_133 = arith.constant 0 : i32
      %dma_start3A_134 = tpu.memref_slice %arg13[%dma_start3A_133] : memref<32xi32, #tpu.memory_space<vmem>> -> memref<16xi32, #tpu.memory_space<vmem>>
      tpu.enqueue_dma source(%arg5 : memref<16xi32, #tpu.memory_space<hbm>>) target(%dma_start3A_134 : memref<16xi32, #tpu.memory_space<vmem>>) target_semaphore(%run_scoped3A : memref<!tpu.dma_semaphore, #tpu.memory_space<semaphore_mem>>)
      %dma_wait3A = arith.constant 0 : i32
      %dma_wait3A_135 = tpu.memref_slice %arg13[%dma_wait3A] : memref<32xi32, #tpu.memory_space<vmem>> -> memref<16xi32, #tpu.memory_space<vmem>>
      %dma_wait3A_136 = arith.constant 0 : i32
      %dma_wait3A_137 = tpu.memref_slice %arg13[%dma_wait3A_136] : memref<32xi32, #tpu.memory_space<vmem>> -> memref<16xi32, #tpu.memory_space<vmem>>
      tpu.wait_dma2 semaphore(%run_scoped3A : memref<!tpu.dma_semaphore, #tpu.memory_space<semaphore_mem>>) src(%arg5 : memref<16xi32, #tpu.memory_space<hbm>>) dst(%dma_wait3A_137 : memref<16xi32, #tpu.memory_space<vmem>>)
      tpu.yield
    }) : () -> ()
    %get3A = arith.constant 0 : index
    %get3A_1 = tpu.vector_load %arg13[%get3A] {strides = array<i32>} : memref<32xi32, #tpu.memory_space<vmem>>, vector<16xi32>,
    %slice3A = vector.extract_strided_slice %get3A_1 {offsets = [0], sizes = [1], strides = [1]} : vector<16xi32> to vector<1xi32>
    %squeeze3A = vector.extract %slice3A[0] : i32 from vector<1xi32>
    %iota3A = tpu.iota {dimensions = array<i32: 0>} : vector<16xi32>
    %eq3A = arith.constant 0 : i32
    %eq3A_2 = vector.broadcast %eq3A : i32 to vector<16xi32>
    %eq3A_3 = arith.cmpi eq, %iota3A, %eq3A_2 : vector<16xi32>
    %scan3A = arith.constant 0 : i32
    %scan3A_4 = arith.constant 0 : i32
    %scan3A_5 = arith.constant 2000 : i32
    %scan3A_6 = arith.addi %scan3A_4, %scan3A_5 : i32
    %scan3A_7 = arith.constant 1 : i32
    scf.for %scan3A_131 = %scan3A_4 to %scan3A_6 step %scan3A_7  : i32 {
      %broadcast_in_dim3A = arith.constant 0 : i32
      %broadcast_in_dim3A_132 = vector.broadcast %broadcast_in_dim3A : i32 to vector<16xi32>
      %mul3A_133 = arith.constant 16 : i32
      %mul3A_134 = arith.muli %scan3A_131, %mul3A_133 : i32
      %swap3A = arith.index_cast %mul3A_134 : i32 to index
      %swap3A_135 = tpu.vector_load %arg11[%swap3A] {strides = array<i32>} : memref<32000xi32, #tpu.memory_space<vmem>>, vector<16xi32>,
      tpu.vector_store %arg11[%swap3A], %broadcast_in_dim3A_132 {strides = array<i32>} : memref<32000xi32, #tpu.memory_space<vmem>>, vector<16xi32>,
    }
    %scan3A_8 = arith.constant 2000 : i32
    %scan3A_9 = arith.constant 0 : i32
    %scan3A_10 = arith.constant 0 : i32
    %scan3A_11 = arith.constant 8 : i32
    %scan3A_12 = arith.addi %scan3A_10, %scan3A_11 : i32
    %scan3A_13 = arith.constant 1 : i32
    scf.for %scan3A_131 = %scan3A_10 to %scan3A_12 step %scan3A_13  : i32 {
      %mul3A_132 = arith.constant 2048 : i32
      %mul3A_133 = arith.muli %scan3A_131, %mul3A_132 : i32
      %scan3A_134 = arith.constant 0 : i32
      %scan3A_135 = arith.constant 0 : i32
      %scan3A_136 = arith.constant 128 : i32
      %scan3A_137 = arith.addi %scan3A_135, %scan3A_136 : i32
      %scan3A_138 = arith.constant 1 : i32
      scf.for %scan3A_152 = %scan3A_135 to %scan3A_137 step %scan3A_138  : i32 {
        %mul3A_153 = arith.constant 16 : i32
        %mul3A_154 = arith.muli %scan3A_152, %mul3A_153 : i32
        %add3A_155 = arith.addi %mul3A_133, %mul3A_154 : i32
        %get3A_156 = arith.index_cast %add3A_155 : i32 to index
        %get3A_157 = tpu.vector_load %arg9[%get3A_156] {strides = array<i32>} : memref<16384xi32, #tpu.memory_space<vmem>>, vector<16xi32>,
        %mul3A_158 = arith.constant 16 : i32
        %mul3A_159 = arith.muli %scan3A_152, %mul3A_158 : i32
        %add3A_160 = vector.broadcast %mul3A_159 : i32 to vector<16xi32>
        %add3A_161 = arith.addi %add3A_160, %iota3A : vector<16xi32>
        %add3A_162 = arith.constant 1 : i32
        %add3A_163 = vector.broadcast %add3A_162 : i32 to vector<16xi32>
        %add3A_164 = arith.addi %add3A_161, %add3A_163 : vector<16xi32>
        %eq3A_165 = arith.constant 0 : i32
        %eq3A_166 = vector.broadcast %eq3A_165 : i32 to vector<16xi32>
        %eq3A_167 = arith.cmpi eq, %iota3A, %eq3A_166 : vector<16xi32>
        tpu.vector_store_idx %arg11[%get3A_157], %add3A_164 masked %eq3A_167 : memref<32000xi32, #tpu.memory_space<vmem>>[vector<16xi32>], vector<16xi32>, vector<16xi1>
        %eq3A_168 = arith.constant 1 : i32
        %eq3A_169 = vector.broadcast %eq3A_168 : i32 to vector<16xi32>
        %eq3A_170 = arith.cmpi eq, %iota3A, %eq3A_169 : vector<16xi32>
        tpu.vector_store_idx %arg11[%get3A_157], %add3A_164 masked %eq3A_170 : memref<32000xi32, #tpu.memory_space<vmem>>[vector<16xi32>], vector<16xi32>, vector<16xi1>
        %eq3A_171 = arith.constant 2 : i32
        %eq3A_172 = vector.broadcast %eq3A_171 : i32 to vector<16xi32>
        %eq3A_173 = arith.cmpi eq, %iota3A, %eq3A_172 : vector<16xi32>
        tpu.vector_store_idx %arg11[%get3A_157], %add3A_164 masked %eq3A_173 : memref<32000xi32, #tpu.memory_space<vmem>>[vector<16xi32>], vector<16xi32>, vector<16xi1>
        %eq3A_174 = arith.constant 3 : i32
        %eq3A_175 = vector.broadcast %eq3A_174 : i32 to vector<16xi32>
        %eq3A_176 = arith.cmpi eq, %iota3A, %eq3A_175 : vector<16xi32>
        tpu.vector_store_idx %arg11[%get3A_157], %add3A_164 masked %eq3A_176 : memref<32000xi32, #tpu.memory_space<vmem>>[vector<16xi32>], vector<16xi32>, vector<16xi1>
        %eq3A_177 = arith.constant 4 : i32
        %eq3A_178 = vector.broadcast %eq3A_177 : i32 to vector<16xi32>
        %eq3A_179 = arith.cmpi eq, %iota3A, %eq3A_178 : vector<16xi32>
        tpu.vector_store_idx %arg11[%get3A_157], %add3A_164 masked %eq3A_179 : memref<32000xi32, #tpu.memory_space<vmem>>[vector<16xi32>], vector<16xi32>, vector<16xi1>
        %eq3A_180 = arith.constant 5 : i32
        %eq3A_181 = vector.broadcast %eq3A_180 : i32 to vector<16xi32>
        %eq3A_182 = arith.cmpi eq, %iota3A, %eq3A_181 : vector<16xi32>
        tpu.vector_store_idx %arg11[%get3A_157], %add3A_164 masked %eq3A_182 : memref<32000xi32, #tpu.memory_space<vmem>>[vector<16xi32>], vector<16xi32>, vector<16xi1>
        %eq3A_183 = arith.constant 6 : i32
        %eq3A_184 = vector.broadcast %eq3A_183 : i32 to vector<16xi32>
        %eq3A_185 = arith.cmpi eq, %iota3A, %eq3A_184 : vector<16xi32>
        tpu.vector_store_idx %arg11[%get3A_157], %add3A_164 masked %eq3A_185 : memref<32000xi32, #tpu.memory_space<vmem>>[vector<16xi32>], vector<16xi32>, vector<16xi1>
        %eq3A_186 = arith.constant 7 : i32
        %eq3A_187 = vector.broadcast %eq3A_186 : i32 to vector<16xi32>
        %eq3A_188 = arith.cmpi eq, %iota3A, %eq3A_187 : vector<16xi32>
        tpu.vector_store_idx %arg11[%get3A_157], %add3A_164 masked %eq3A_188 : memref<32000xi32, #tpu.memory_space<vmem>>[vector<16xi32>], vector<16xi32>, vector<16xi1>
        %eq3A_189 = arith.constant 8 : i32
        %eq3A_190 = vector.broadcast %eq3A_189 : i32 to vector<16xi32>
        %eq3A_191 = arith.cmpi eq, %iota3A, %eq3A_190 : vector<16xi32>
        tpu.vector_store_idx %arg11[%get3A_157], %add3A_164 masked %eq3A_191 : memref<32000xi32, #tpu.memory_space<vmem>>[vector<16xi32>], vector<16xi32>, vector<16xi1>
        %eq3A_192 = arith.constant 9 : i32
        %eq3A_193 = vector.broadcast %eq3A_192 : i32 to vector<16xi32>
        %eq3A_194 = arith.cmpi eq, %iota3A, %eq3A_193 : vector<16xi32>
        tpu.vector_store_idx %arg11[%get3A_157], %add3A_164 masked %eq3A_194 : memref<32000xi32, #tpu.memory_space<vmem>>[vector<16xi32>], vector<16xi32>, vector<16xi1>
        %eq3A_195 = arith.constant 10 : i32
        %eq3A_196 = vector.broadcast %eq3A_195 : i32 to vector<16xi32>
        %eq3A_197 = arith.cmpi eq, %iota3A, %eq3A_196 : vector<16xi32>
        tpu.vector_store_idx %arg11[%get3A_157], %add3A_164 masked %eq3A_197 : memref<32000xi32, #tpu.memory_space<vmem>>[vector<16xi32>], vector<16xi32>, vector<16xi1>
        %eq3A_198 = arith.constant 11 : i32
        %eq3A_199 = vector.broadcast %eq3A_198 : i32 to vector<16xi32>
        %eq3A_200 = arith.cmpi eq, %iota3A, %eq3A_199 : vector<16xi32>
        tpu.vector_store_idx %arg11[%get3A_157], %add3A_164 masked %eq3A_200 : memref<32000xi32, #tpu.memory_space<vmem>>[vector<16xi32>], vector<16xi32>, vector<16xi1>
        %eq3A_201 = arith.constant 12 : i32
        %eq3A_202 = vector.broadcast %eq3A_201 : i32 to vector<16xi32>
        %eq3A_203 = arith.cmpi eq, %iota3A, %eq3A_202 : vector<16xi32>
        tpu.vector_store_idx %arg11[%get3A_157], %add3A_164 masked %eq3A_203 : memref<32000xi32, #tpu.memory_space<vmem>>[vector<16xi32>], vector<16xi32>, vector<16xi1>
        %eq3A_204 = arith.constant 13 : i32
        %eq3A_205 = vector.broadcast %eq3A_204 : i32 to vector<16xi32>
        %eq3A_206 = arith.cmpi eq, %iota3A, %eq3A_205 : vector<16xi32>
        tpu.vector_store_idx %arg11[%get3A_157], %add3A_164 masked %eq3A_206 : memref<32000xi32, #tpu.memory_space<vmem>>[vector<16xi32>], vector<16xi32>, vector<16xi1>
        %eq3A_207 = arith.constant 14 : i32
        %eq3A_208 = vector.broadcast %eq3A_207 : i32 to vector<16xi32>
        %eq3A_209 = arith.cmpi eq, %iota3A, %eq3A_208 : vector<16xi32>
        tpu.vector_store_idx %arg11[%get3A_157], %add3A_164 masked %eq3A_209 : memref<32000xi32, #tpu.memory_space<vmem>>[vector<16xi32>], vector<16xi32>, vector<16xi1>
        %eq3A_210 = arith.constant 15 : i32
        %eq3A_211 = vector.broadcast %eq3A_210 : i32 to vector<16xi32>
        %eq3A_212 = arith.cmpi eq, %iota3A, %eq3A_211 : vector<16xi32>
        tpu.vector_store_idx %arg11[%get3A_157], %add3A_164 masked %eq3A_212 : memref<32000xi32, #tpu.memory_space<vmem>>[vector<16xi32>], vector<16xi32>, vector<16xi1>
      }
      %scan3A_139 = arith.constant 128 : i32
      %scan3A_140 = arith.constant 0 : i32
      %scan3A_141 = arith.constant 0 : i32
      %scan3A_142 = arith.constant 128 : i32
      %scan3A_143 = arith.addi %scan3A_141, %scan3A_142 : i32
      %scan3A_144 = arith.constant 1 : i32
      scf.for %scan3A_152 = %scan3A_141 to %scan3A_143 step %scan3A_144  : i32 {
        %mul3A_153 = arith.constant 16 : i32
        %mul3A_154 = arith.muli %scan3A_152, %mul3A_153 : i32
        %add3A_155 = arith.addi %mul3A_133, %mul3A_154 : i32
        %get3A_156 = arith.index_cast %add3A_155 : i32 to index
        %get3A_157 = tpu.vector_load %arg9[%get3A_156] {strides = array<i32>} : memref<16384xi32, #tpu.memory_space<vmem>>, vector<16xi32>,
        %gather3A = tpu.vector_load_idx %arg11[%get3A_157] : memref<32000xi32, #tpu.memory_space<vmem>>[vector<16xi32>], vector<16xi32>,
        %mul3A_158 = arith.constant 16 : i32
        %mul3A_159 = arith.muli %scan3A_152, %mul3A_158 : i32
        %add3A_160 = vector.broadcast %mul3A_159 : i32 to vector<16xi32>
        %add3A_161 = arith.addi %add3A_160, %iota3A : vector<16xi32>
        %add3A_162 = arith.constant 1 : i32
        %add3A_163 = vector.broadcast %add3A_162 : i32 to vector<16xi32>
        %add3A_164 = arith.addi %add3A_161, %add3A_163 : vector<16xi32>
        %eq3A_165 = arith.cmpi eq, %gather3A, %add3A_164 : vector<16xi32>
        %ne3A_166 = arith.constant 0 : i32
        %ne3A_167 = vector.broadcast %ne3A_166 : i32 to vector<16xi32>
        %ne3A_168 = arith.cmpi ne, %get3A_157, %ne3A_167 : vector<16xi32>
        %and3A_169 = arith.andi %eq3A_165, %ne3A_168 : vector<16xi1>
        %shift_left3A = arith.constant 1 : i32
        %shift_left3A_170 = vector.broadcast %shift_left3A : i32 to vector<16xi32>
        %shift_left3A_171 = arith.shli %shift_left3A_170, %iota3A : vector<16xi32>
        %jit3A_172 = arith.constant 0 : i32
        %broadcast_in_dim3A = vector.broadcast %jit3A_172 : i32 to vector<16xi32>
        %select_n3A_173 = arith.select %and3A_169, %shift_left3A_171, %broadcast_in_dim3A : vector<16xi1>, vector<16xi32>
        %reduce_sum3A = arith.constant true
        %reduce_sum3A_174 = vector.broadcast %reduce_sum3A : i1 to vector<16xi1>
        %reduce_sum3A_175 = tpu.scan <sum>, %select_n3A_173 masked %reduce_sum3A_174 : vector<16xi32>, vector<16xi1> -> vector<16xi32>
        %reduce_sum3A_176 = vector.extract %reduce_sum3A_175[15] : i32 from vector<16xi32>
        %mul3A_177 = arith.constant 128 : i32
        %mul3A_178 = arith.muli %scan3A_131, %mul3A_177 : i32
        %add3A_179 = arith.addi %mul3A_178, %scan3A_152 : i32
        %broadcast_in_dim3A_180 = vector.broadcast %add3A_179 : i32 to vector<16xi32>
        %broadcast_in_dim3A_181 = vector.broadcast %reduce_sum3A_176 : i32 to vector<16xi32>
        tpu.vector_store_idx %arg10[%broadcast_in_dim3A_180], %broadcast_in_dim3A_181 masked %eq3A_3 : memref<1040xi32, #tpu.memory_space<vmem>>[vector<16xi32>], vector<16xi32>, vector<16xi1>
      }
      %scan3A_145 = arith.constant 128 : i32
      %scan3A_146 = arith.constant 0 : i32
      %scan3A_147 = arith.constant 0 : i32
      %scan3A_148 = arith.constant 128 : i32
      %scan3A_149 = arith.addi %scan3A_147, %scan3A_148 : i32
      %scan3A_150 = arith.constant 1 : i32
      scf.for %scan3A_152 = %scan3A_147 to %scan3A_149 step %scan3A_150  : i32 {
        %mul3A_153 = arith.constant 16 : i32
        %mul3A_154 = arith.muli %scan3A_152, %mul3A_153 : i32
        %add3A_155 = arith.addi %mul3A_133, %mul3A_154 : i32
        %get3A_156 = arith.index_cast %add3A_155 : i32 to index
        %get3A_157 = tpu.vector_load %arg9[%get3A_156] {strides = array<i32>} : memref<16384xi32, #tpu.memory_space<vmem>>, vector<16xi32>,
        %broadcast_in_dim3A = arith.constant 0 : i32
        %broadcast_in_dim3A_158 = vector.broadcast %broadcast_in_dim3A : i32 to vector<16xi32>
        tpu.vector_store_idx %arg11[%get3A_157], %broadcast_in_dim3A_158 : memref<32000xi32, #tpu.memory_space<vmem>>[vector<16xi32>], vector<16xi32>,
      }
      %scan3A_151 = arith.constant 128 : i32
    }
    %scan3A_14 = arith.constant 8 : i32
    %scan3A_15 = arith.constant 0 : i32
    %scan3A_16 = arith.constant 0 : i32
    %scan3A_17 = arith.constant 8 : i32
    %scan3A_18 = arith.addi %scan3A_16, %scan3A_17 : i32
    %scan3A_19 = arith.constant 1 : i32
    scf.for %scan3A_131 = %scan3A_16 to %scan3A_18 step %scan3A_19  : i32 {
      %broadcast_in_dim3A = arith.constant 0.000000e+00 : f32
      %broadcast_in_dim3A_132 = vector.broadcast %broadcast_in_dim3A : f32 to vector<16xf32>
      %mul3A_133 = arith.constant 16 : i32
      %mul3A_134 = arith.muli %scan3A_131, %mul3A_133 : i32
      %swap3A = arith.index_cast %mul3A_134 : i32 to index
      %swap3A_135 = tpu.vector_load %arg15[%swap3A] {strides = array<i32>} : memref<128xf32, #tpu.memory_space<vmem>>, vector<16xf32>,
      tpu.vector_store %arg15[%swap3A], %broadcast_in_dim3A_132 {strides = array<i32>} : memref<128xf32, #tpu.memory_space<vmem>>, vector<16xf32>,
      %broadcast_in_dim3A_136 = arith.constant 0.000000e+00 : f32
      %broadcast_in_dim3A_137 = vector.broadcast %broadcast_in_dim3A_136 : f32 to vector<16xf32>
      %mul3A_138 = arith.constant 16 : i32
      %mul3A_139 = arith.muli %scan3A_131, %mul3A_138 : i32
      %swap3A_140 = arith.index_cast %mul3A_139 : i32 to index
      %swap3A_141 = tpu.vector_load %arg16[%swap3A_140] {strides = array<i32>} : memref<128xf32, #tpu.memory_space<vmem>>, vector<16xf32>,
      tpu.vector_store %arg16[%swap3A_140], %broadcast_in_dim3A_137 {strides = array<i32>} : memref<128xf32, #tpu.memory_space<vmem>>, vector<16xf32>,
    }
    %scan3A_20 = arith.constant 8 : i32
    %add3A_21 = arith.constant 0 : i32
    %add3A_22 = arith.addi %add3A, %add3A_21 : i32
    %mul3A_23 = arith.constant 8 : i32
    %mul3A_24 = arith.muli %mul3A_23, %add3A_22 : i32
    %add3A_25 = arith.constant 0 : i32
    %add3A_26 = arith.addi %mul3A_24, %add3A_25 : i32
    %add3A_27 = arith.addi %squeeze3A, %add3A_22 : i32
    %get3A_28 = arith.constant 1 : index
    %get3A_29 = tpu.vector_load %arg13[%get3A_28] {strides = array<i32>} : memref<32xi32, #tpu.memory_space<vmem>>, vector<16xi32>,
    %slice3A_30 = vector.extract_strided_slice %get3A_29 {offsets = [0], sizes = [1], strides = [1]} : vector<16xi32> to vector<1xi32>
    %squeeze3A_31 = vector.extract %slice3A_30[0] : i32 from vector<1xi32>
    %sub3A = arith.constant 2 : i32
    %sub3A_32 = arith.subi %squeeze3A_31, %sub3A : i32
    %lt3A = arith.cmpi slt, %add3A_27, %sub3A_32 : i32
    %get3A_33 = arith.index_cast %add3A_26 : i32 to index
    %get3A_34 = tpu.vector_load %arg12[%get3A_33] {strides = array<i32>} : memref<4112xi32, #tpu.memory_space<vmem>>, vector<16xi32>,
    %slice3A_35 = vector.extract_strided_slice %get3A_34 {offsets = [0], sizes = [1], strides = [1]} : vector<16xi32> to vector<1xi32>
    %squeeze3A_36 = vector.extract %slice3A_35[0] : i32 from vector<1xi32>
    %jit3A = arith.constant 16 : i32
    %div3A = arith.divsi %squeeze3A_36, %jit3A : i32
    %sign3A = arith.constant 0 : i32
    %sign3A_37 = arith.cmpi sgt, %squeeze3A_36, %sign3A : i32
    %sign3A_38 = arith.extui %sign3A_37 : i1 to i32
    %sign3A_39 = arith.constant 0 : i32
    %sign3A_40 = arith.cmpi slt, %squeeze3A_36, %sign3A_39 : i32
    %sign3A_41 = arith.extui %sign3A_40 : i1 to i32
    %sign3A_42 = arith.subi %sign3A_38, %sign3A_41 : i32
    %sign3A_43 = arith.constant 0 : i32
    %sign3A_44 = arith.cmpi sgt, %jit3A, %sign3A_43 : i32
    %sign3A_45 = arith.extui %sign3A_44 : i1 to i32
    %sign3A_46 = arith.constant 0 : i32
    %sign3A_47 = arith.cmpi slt, %jit3A, %sign3A_46 : i32
    %sign3A_48 = arith.extui %sign3A_47 : i1 to i32
    %sign3A_49 = arith.subi %sign3A_45, %sign3A_48 : i32
    %ne3A = arith.cmpi ne, %sign3A_42, %sign3A_49 : i32
    %rem3A = arith.remsi %squeeze3A_36, %jit3A : i32
    %ne3A_50 = arith.constant 0 : i32
    %ne3A_51 = arith.cmpi ne, %rem3A, %ne3A_50 : i32
    %and3A = arith.andi %ne3A, %ne3A_51 : i1
    %sub3A_52 = arith.constant 1 : i32
    %sub3A_53 = arith.subi %div3A, %sub3A_52 : i32
    %select_n3A = arith.select %and3A, %sub3A_53, %div3A : i32
    %mul3A_54 = arith.constant 16 : i32
    %mul3A_55 = arith.muli %select_n3A, %mul3A_54 : i32
    %dma_start3A = arith.constant 0 : i32
    %dma_start3A_56 = tpu.memref_slice %arg14[%dma_start3A] : memref<2048xf32, #tpu.memory_space<vmem>> -> memref<16xf32, #tpu.memory_space<vmem>>
    %dma_start3A_57 = tpu.memref_slice %arg2[%add3A_26, %mul3A_55] : memref<4096x32000xf32, #tpu.memory_space<hbm>> -> memref<1x16xf32, #tpu.memory_space<hbm>>
    %dma_start3A_58 = tpu.memref_squeeze %dma_start3A_57 : memref<1x16xf32, #tpu.memory_space<hbm>> -> memref<16xf32, #tpu.memory_space<hbm>>
    %dma_start3A_59 = arith.constant 0 : i32
    %dma_start3A_60 = tpu.memref_slice %arg14[%dma_start3A_59] : memref<2048xf32, #tpu.memory_space<vmem>> -> memref<16xf32, #tpu.memory_space<vmem>>
    %dma_start3A_61 = tpu.memref_slice %arg2[%add3A_26, %mul3A_55] : memref<4096x32000xf32, #tpu.memory_space<hbm>> -> memref<1x16xf32, #tpu.memory_space<hbm>>
    %dma_start3A_62 = tpu.memref_squeeze %dma_start3A_61 : memref<1x16xf32, #tpu.memory_space<hbm>> -> memref<16xf32, #tpu.memory_space<hbm>>
    tpu.enqueue_dma source(%dma_start3A_62 : memref<16xf32, #tpu.memory_space<hbm>>) target(%dma_start3A_60 : memref<16xf32, #tpu.memory_space<vmem>>) target_semaphore(%arg22 : memref<!tpu.dma_semaphore, #tpu.memory_space<semaphore_mem>>)
    %convert_element_type3A = arith.extui %lt3A : i1 to i32
    %cond3A = arith.constant 0 : i32
    %cond3A_63 = arith.cmpi ne, %convert_element_type3A, %cond3A : i32
    scf.if %cond3A_63 {
      %dma_start3A_131 = arith.constant 0 : i32
      %dma_start3A_132 = tpu.memref_slice %arg2[%add3A_26, %dma_start3A_131] : memref<4096x32000xf32, #tpu.memory_space<hbm>> -> memref<1x32000xf32, #tpu.memory_space<hbm>>
      %dma_start3A_133 = tpu.memref_squeeze %dma_start3A_132 : memref<1x32000xf32, #tpu.memory_space<hbm>> -> memref<32000xf32, #tpu.memory_space<hbm>>
      %dma_start3A_134 = arith.constant 0 : i32
      %dma_start3A_135 = tpu.memref_slice %arg2[%add3A_26, %dma_start3A_134] : memref<4096x32000xf32, #tpu.memory_space<hbm>> -> memref<1x32000xf32, #tpu.memory_space<hbm>>
      %dma_start3A_136 = tpu.memref_squeeze %dma_start3A_135 : memref<1x32000xf32, #tpu.memory_space<hbm>> -> memref<32000xf32, #tpu.memory_space<hbm>>
      tpu.enqueue_dma source(%dma_start3A_136 : memref<32000xf32, #tpu.memory_space<hbm>>) target(%arg18 : memref<32000xf32, #tpu.memory_space<vmem>>) target_semaphore(%arg20 : memref<!tpu.dma_semaphore, #tpu.memory_space<semaphore_mem>>)
    } else {
    }
    %add3A_64 = arith.constant 0 : i32
    %add3A_65 = arith.addi %add3A, %add3A_64 : i32
    %mul3A_66 = arith.constant 8 : i32
    %mul3A_67 = arith.muli %mul3A_66, %add3A_65 : i32
    %add3A_68 = arith.constant 1 : i32
    %add3A_69 = arith.addi %mul3A_67, %add3A_68 : i32
    %add3A_70 = arith.addi %squeeze3A, %add3A_65 : i32
    %get3A_71 = arith.constant 2 : index
    %get3A_72 = tpu.vector_load %arg13[%get3A_71] {strides = array<i32>} : memref<32xi32, #tpu.memory_space<vmem>>, vector<16xi32>,
    %slice3A_73 = vector.extract_strided_slice %get3A_72 {offsets = [0], sizes = [1], strides = [1]} : vector<16xi32> to vector<1xi32>
    %squeeze3A_74 = vector.extract %slice3A_73[0] : i32 from vector<1xi32>
    %sub3A_75 = arith.constant 2 : i32
    %sub3A_76 = arith.subi %squeeze3A_74, %sub3A_75 : i32
    %lt3A_77 = arith.cmpi slt, %add3A_70, %sub3A_76 : i32
    %get3A_78 = arith.index_cast %add3A_69 : i32 to index
    %get3A_79 = tpu.vector_load %arg12[%get3A_78] {strides = array<i32>} : memref<4112xi32, #tpu.memory_space<vmem>>, vector<16xi32>,
    %slice3A_80 = vector.extract_strided_slice %get3A_79 {offsets = [0], sizes = [1], strides = [1]} : vector<16xi32> to vector<1xi32>
    %squeeze3A_81 = vector.extract %slice3A_80[0] : i32 from vector<1xi32>
    %jit3A_82 = arith.constant 16 : i32
    %div3A_83 = arith.divsi %squeeze3A_81, %jit3A_82 : i32
    %sign3A_84 = arith.constant 0 : i32
    %sign3A_85 = arith.cmpi sgt, %squeeze3A_81, %sign3A_84 : i32
    %sign3A_86 = arith.extui %sign3A_85 : i1 to i32
    %sign3A_87 = arith.constant 0 : i32
    %sign3A_88 = arith.cmpi slt, %squeeze3A_81, %sign3A_87 : i32
    %sign3A_89 = arith.extui %sign3A_88 : i1 to i32
    %sign3A_90 = arith.subi %sign3A_86, %sign3A_89 : i32
    %sign3A_91 = arith.constant 0 : i32
    %sign3A_92 = arith.cmpi sgt, %jit3A_82, %sign3A_91 : i32
    %sign3A_93 = arith.extui %sign3A_92 : i1 to i32
    %sign3A_94 = arith.constant 0 : i32
    %sign3A_95 = arith.cmpi slt, %jit3A_82, %sign3A_94 : i32
    %sign3A_96 = arith.extui %sign3A_95 : i1 to i32
    %sign3A_97 = arith.subi %sign3A_93, %sign3A_96 : i32
    %ne3A_98 = arith.cmpi ne, %sign3A_90, %sign3A_97 : i32
    %rem3A_99 = arith.remsi %squeeze3A_81, %jit3A_82 : i32
    %ne3A_100 = arith.constant 0 : i32
    %ne3A_101 = arith.cmpi ne, %rem3A_99, %ne3A_100 : i32
    %and3A_102 = arith.andi %ne3A_98, %ne3A_101 : i1
    %sub3A_103 = arith.constant 1 : i32
    %sub3A_104 = arith.subi %div3A_83, %sub3A_103 : i32
    %select_n3A_105 = arith.select %and3A_102, %sub3A_104, %div3A_83 : i32
    %mul3A_106 = arith.constant 16 : i32
    %mul3A_107 = arith.muli %select_n3A_105, %mul3A_106 : i32
    %dma_start3A_108 = arith.constant 16 : i32
    %dma_start3A_109 = tpu.memref_slice %arg14[%dma_start3A_108] : memref<2048xf32, #tpu.memory_space<vmem>> -> memref<16xf32, #tpu.memory_space<vmem>>
    %dma_start3A_110 = tpu.memref_slice %arg2[%add3A_69, %mul3A_107] : memref<4096x32000xf32, #tpu.memory_space<hbm>> -> memref<1x16xf32, #tpu.memory_space<hbm>>
    %dma_start3A_111 = tpu.memref_squeeze %dma_start3A_110 : memref<1x16xf32, #tpu.memory_space<hbm>> -> memref<16xf32, #tpu.memory_space<hbm>>
    %dma_start3A_112 = arith.constant 16 : i32
    %dma_start3A_113 = tpu.memref_slice %arg14[%dma_start3A_112] : memref<2048xf32, #tpu.memory_space<vmem>> -> memref<16xf32, #tpu.memory_space<vmem>>
    %dma_start3A_114 = tpu.memref_slice %arg2[%add3A_69, %mul3A_107] : memref<4096x32000xf32, #tpu.memory_space<hbm>> -> memref<1x16xf32, #tpu.memory_space<hbm>>
    %dma_start3A_115 = tpu.memref_squeeze %dma_start3A_114 : memref<1x16xf32, #tpu.memory_space<hbm>> -> memref<16xf32, #tpu.memory_space<hbm>>
    tpu.enqueue_dma source(%dma_start3A_115 : memref<16xf32, #tpu.memory_space<hbm>>) target(%dma_start3A_113 : memref<16xf32, #tpu.memory_space<vmem>>) target_semaphore(%arg22 : memref<!tpu.dma_semaphore, #tpu.memory_space<semaphore_mem>>)
    %convert_element_type3A_116 = arith.extui %lt3A_77 : i1 to i32
    %cond3A_117 = arith.constant 0 : i32
    %cond3A_118 = arith.cmpi ne, %convert_element_type3A_116, %cond3A_117 : i32
    scf.if %cond3A_118 {
      %dma_start3A_131 = arith.constant 0 : i32
      %dma_start3A_132 = tpu.memref_slice %arg2[%add3A_69, %dma_start3A_131] : memref<4096x32000xf32, #tpu.memory_space<hbm>> -> memref<1x32000xf32, #tpu.memory_space<hbm>>
      %dma_start3A_133 = tpu.memref_squeeze %dma_start3A_132 : memref<1x32000xf32, #tpu.memory_space<hbm>> -> memref<32000xf32, #tpu.memory_space<hbm>>
      %dma_start3A_134 = arith.constant 0 : i32
      %dma_start3A_135 = tpu.memref_slice %arg2[%add3A_69, %dma_start3A_134] : memref<4096x32000xf32, #tpu.memory_space<hbm>> -> memref<1x32000xf32, #tpu.memory_space<hbm>>
      %dma_start3A_136 = tpu.memref_squeeze %dma_start3A_135 : memref<1x32000xf32, #tpu.memory_space<hbm>> -> memref<32000xf32, #tpu.memory_space<hbm>>
      tpu.enqueue_dma source(%dma_start3A_136 : memref<32000xf32, #tpu.memory_space<hbm>>) target(%arg19 : memref<32000xf32, #tpu.memory_space<vmem>>) target_semaphore(%arg21 : memref<!tpu.dma_semaphore, #tpu.memory_space<semaphore_mem>>)
    } else {
    }
    %scan3A_119 = arith.constant 0 : i32
    %scan3A_120 = arith.constant 0 : i32
    %scan3A_121 = arith.constant 64 : i32
    %scan3A_122 = arith.addi %scan3A_120, %scan3A_121 : i32
    %scan3A_123 = arith.constant 1 : i32
    scf.for %scan3A_131 = %scan3A_120 to %scan3A_122 step %scan3A_123  : i32 {
      %mul3A_132 = arith.constant 2 : i32
      %mul3A_133 = arith.muli %mul3A_132, %scan3A_131 : i32
      %add3A_134 = arith.constant 0 : i32
      %add3A_135 = arith.addi %mul3A_133, %add3A_134 : i32
      %jit3A_136 = arith.constant 8 : i32
      %div3A_137 = arith.divsi %add3A_135, %jit3A_136 : i32
      %sign3A_138 = arith.constant 0 : i32
      %sign3A_139 = arith.cmpi sgt, %add3A_135, %sign3A_138 : i32
      %sign3A_140 = arith.extui %sign3A_139 : i1 to i32
      %sign3A_141 = arith.constant 0 : i32
      %sign3A_142 = arith.cmpi slt, %add3A_135, %sign3A_141 : i32
      %sign3A_143 = arith.extui %sign3A_142 : i1 to i32
      %sign3A_144 = arith.subi %sign3A_140, %sign3A_143 : i32
      %sign3A_145 = arith.constant 0 : i32
      %sign3A_146 = arith.cmpi sgt, %jit3A_136, %sign3A_145 : i32
      %sign3A_147 = arith.extui %sign3A_146 : i1 to i32
      %sign3A_148 = arith.constant 0 : i32
      %sign3A_149 = arith.cmpi slt, %jit3A_136, %sign3A_148 : i32
      %sign3A_150 = arith.extui %sign3A_149 : i1 to i32
      %sign3A_151 = arith.subi %sign3A_147, %sign3A_150 : i32
      %ne3A_152 = arith.cmpi ne, %sign3A_144, %sign3A_151 : i32
      %rem3A_153 = arith.remsi %add3A_135, %jit3A_136 : i32
      %ne3A_154 = arith.constant 0 : i32
      %ne3A_155 = arith.cmpi ne, %rem3A_153, %ne3A_154 : i32
      %and3A_156 = arith.andi %ne3A_152, %ne3A_155 : i1
      %sub3A_157 = arith.constant 1 : i32
      %sub3A_158 = arith.subi %div3A_137, %sub3A_157 : i32
      %select_n3A_159 = arith.select %and3A_156, %sub3A_158, %div3A_137 : i32
      %jit3A_160 = arith.constant 8 : i32
      %eq3A_161 = arith.constant 0 : i32
      %eq3A_162 = arith.cmpi eq, %jit3A_160, %eq3A_161 : i32
      %jit3A_163 = arith.constant 1 : i32
      %select_n3A_164 = arith.select %eq3A_162, %jit3A_163, %jit3A_160 : i32
      %rem3A_165 = arith.remsi %add3A_135, %select_n3A_164 : i32
      %ne3A_166 = arith.constant 0 : i32
      %ne3A_167 = arith.cmpi ne, %rem3A_165, %ne3A_166 : i32
      %lt3A_168 = arith.constant 0 : i32
      %lt3A_169 = arith.cmpi slt, %rem3A_165, %lt3A_168 : i32
      %lt3A_170 = arith.constant 0 : i32
      %lt3A_171 = arith.cmpi slt, %select_n3A_164, %lt3A_170 : i32
      %ne3A_172 = arith.xori %lt3A_169, %lt3A_171 : i1
      %and3A_173 = arith.andi %ne3A_172, %ne3A_167 : i1
      %add3A_174 = arith.addi %rem3A_165, %select_n3A_164 : i32
      %select_n3A_175 = arith.select %and3A_173, %add3A_174, %rem3A_165 : i32
      %mul3A_176 = arith.constant 32 : i32
      %mul3A_177 = arith.muli %mul3A_176, %select_n3A_159 : i32
      %add3A_178 = arith.addi %add3A, %mul3A_177 : i32
      %mul3A_179 = arith.constant 8 : i32
      %mul3A_180 = arith.muli %mul3A_179, %add3A_178 : i32
      %add3A_181 = arith.addi %mul3A_180, %select_n3A_175 : i32
      %add3A_182 = arith.addi %squeeze3A, %add3A_178 : i32
      %add3A_183 = arith.constant 1 : i32
      %add3A_184 = arith.addi %add3A_183, %select_n3A_175 : i32
      %get3A_185 = arith.index_cast %add3A_184 : i32 to index
      %get3A_186 = tpu.vector_load %arg13[%get3A_185] {strides = array<i32>} : memref<32xi32, #tpu.memory_space<vmem>>, vector<16xi32>,
      %slice3A_187 = vector.extract_strided_slice %get3A_186 {offsets = [0], sizes = [1], strides = [1]} : vector<16xi32> to vector<1xi32>
      %squeeze3A_188 = vector.extract %slice3A_187[0] : i32 from vector<1xi32>
      %sub3A_189 = arith.constant 2 : i32
      %sub3A_190 = arith.subi %squeeze3A_188, %sub3A_189 : i32
      %lt3A_191 = arith.cmpi slt, %add3A_182, %sub3A_190 : i32
      %get3A_192 = arith.index_cast %add3A_181 : i32 to index
      %get3A_193 = tpu.vector_load %arg12[%get3A_192] {strides = array<i32>} : memref<4112xi32, #tpu.memory_space<vmem>>, vector<16xi32>,
      %slice3A_194 = vector.extract_strided_slice %get3A_193 {offsets = [0], sizes = [1], strides = [1]} : vector<16xi32> to vector<1xi32>
      %squeeze3A_195 = vector.extract %slice3A_194[0] : i32 from vector<1xi32>
      %mul3A_196 = arith.constant 2048 : i32
      %mul3A_197 = arith.muli %select_n3A_175, %mul3A_196 : i32
      %convert_element_type3A_198 = arith.extui %lt3A_191 : i1 to i32
      %cond3A_199 = arith.constant 0 : i32
      %cond3A_200 = arith.cmpi ne, %convert_element_type3A_198, %cond3A_199 : i32
      scf.if %cond3A_200 {
        %dma_wait3A = arith.constant 0 : i32
        %dma_wait3A_284 = tpu.memref_slice %arg2[%add3A_181, %dma_wait3A] : memref<4096x32000xf32, #tpu.memory_space<hbm>> -> memref<1x32000xf32, #tpu.memory_space<hbm>>
        %dma_wait3A_285 = tpu.memref_squeeze %dma_wait3A_284 : memref<1x32000xf32, #tpu.memory_space<hbm>> -> memref<32000xf32, #tpu.memory_space<hbm>>
        %dma_wait3A_286 = arith.constant 0 : i32
        %dma_wait3A_287 = tpu.memref_slice %arg2[%add3A_181, %dma_wait3A_286] : memref<4096x32000xf32, #tpu.memory_space<hbm>> -> memref<1x32000xf32, #tpu.memory_space<hbm>>
        %dma_wait3A_288 = tpu.memref_squeeze %dma_wait3A_287 : memref<1x32000xf32, #tpu.memory_space<hbm>> -> memref<32000xf32, #tpu.memory_space<hbm>>
        tpu.wait_dma2 semaphore(%arg20 : memref<!tpu.dma_semaphore, #tpu.memory_space<semaphore_mem>>) src(%dma_wait3A_288 : memref<32000xf32, #tpu.memory_space<hbm>>) dst(%arg18 : memref<32000xf32, #tpu.memory_space<vmem>>)
        %jit3A_289 = arith.constant 16 : i32
        %div3A_290 = arith.divsi %add3A_182, %jit3A_289 : i32
        %sign3A_291 = arith.constant 0 : i32
        %sign3A_292 = arith.cmpi sgt, %add3A_182, %sign3A_291 : i32
        %sign3A_293 = arith.extui %sign3A_292 : i1 to i32
        %sign3A_294 = arith.constant 0 : i32
        %sign3A_295 = arith.cmpi slt, %add3A_182, %sign3A_294 : i32
        %sign3A_296 = arith.extui %sign3A_295 : i1 to i32
        %sign3A_297 = arith.subi %sign3A_293, %sign3A_296 : i32
        %sign3A_298 = arith.constant 0 : i32
        %sign3A_299 = arith.cmpi sgt, %jit3A_289, %sign3A_298 : i32
        %sign3A_300 = arith.extui %sign3A_299 : i1 to i32
        %sign3A_301 = arith.constant 0 : i32
        %sign3A_302 = arith.cmpi slt, %jit3A_289, %sign3A_301 : i32
        %sign3A_303 = arith.extui %sign3A_302 : i1 to i32
        %sign3A_304 = arith.subi %sign3A_300, %sign3A_303 : i32
        %ne3A_305 = arith.cmpi ne, %sign3A_297, %sign3A_304 : i32
        %rem3A_306 = arith.remsi %add3A_182, %jit3A_289 : i32
        %ne3A_307 = arith.constant 0 : i32
        %ne3A_308 = arith.cmpi ne, %rem3A_306, %ne3A_307 : i32
        %and3A_309 = arith.andi %ne3A_305, %ne3A_308 : i1
        %sub3A_310 = arith.constant 1 : i32
        %sub3A_311 = arith.subi %div3A_290, %sub3A_310 : i32
        %select_n3A_312 = arith.select %and3A_309, %sub3A_311, %div3A_290 : i32
        %broadcast_in_dim3A = arith.constant 0.000000e+00 : f32
        %broadcast_in_dim3A_313 = vector.broadcast %broadcast_in_dim3A : f32 to vector<16xf32>
        %broadcast_in_dim3A_314 = arith.constant 0.000000e+00 : f32
        %broadcast_in_dim3A_315 = vector.broadcast %broadcast_in_dim3A_314 : f32 to vector<16xf32>
        %while3A = arith.constant 128 : i32
        %while3A_316 = arith.subi %while3A, %select_n3A_312 : i32
        %while3A_317 = arith.addi %select_n3A_312, %while3A_316 : i32
        %while3A_318 = arith.constant 1 : i32
        %while3A_319 = arith.divsi %while3A_316, %while3A_318 : i32
        %while3A_320 = arith.muli %while3A_319, %while3A_318 : i32
        %while3A_321 = arith.addi %select_n3A_312, %while3A_320 : i32
        %while3A_322 = arith.constant 1 : i32
        %while3A_323:2 = scf.for %while3A_336 = %select_n3A_312 to %while3A_321 step %while3A_322 iter_args(%while3A_337 = %broadcast_in_dim3A_313, %while3A_338 = %broadcast_in_dim3A_315) -> (vector<16xf32>, vector<16xf32>)  : i32 {
          %mul3A_339 = arith.constant 16 : i32
          %mul3A_340 = arith.muli %while3A_336, %mul3A_339 : i32
          %add3A_341 = arith.addi %mul3A_197, %mul3A_340 : i32
          %get3A_342 = arith.index_cast %add3A_341 : i32 to index
          %get3A_343 = tpu.vector_load %arg9[%get3A_342] {strides = array<i32>} : memref<16384xi32, #tpu.memory_space<vmem>>, vector<16xi32>,
          %mul3A_344 = arith.constant 128 : i32
          %mul3A_345 = arith.muli %select_n3A_175, %mul3A_344 : i32
          %add3A_346 = arith.addi %mul3A_345, %while3A_336 : i32
          %get3A_347 = arith.index_cast %add3A_346 : i32 to index
          %get3A_348 = tpu.vector_load %arg10[%get3A_347] {strides = array<i32>} : memref<1040xi32, #tpu.memory_space<vmem>>, vector<16xi32>,
          %slice3A_349 = vector.extract_strided_slice %get3A_348 {offsets = [0], sizes = [1], strides = [1]} : vector<16xi32> to vector<1xi32>
          %squeeze3A_350 = vector.extract %slice3A_349[0] : i32 from vector<1xi32>
          %broadcast_in_dim3A_351 = vector.broadcast %squeeze3A_350 : i32 to vector<16xi32>
          %shift_right_logical3A = arith.shrui %broadcast_in_dim3A_351, %iota3A : vector<16xi32>
          %and3A_352 = arith.constant 1 : i32
          %and3A_353 = vector.broadcast %and3A_352 : i32 to vector<16xi32>
          %and3A_354 = arith.andi %shift_right_logical3A, %and3A_353 : vector<16xi32>
          %ne3A_355 = arith.constant 0 : i32
          %ne3A_356 = vector.broadcast %ne3A_355 : i32 to vector<16xi32>
          %ne3A_357 = arith.cmpi ne, %and3A_354, %ne3A_356 : vector<16xi32>
          %add3A_358 = vector.broadcast %mul3A_340 : i32 to vector<16xi32>
          %add3A_359 = arith.addi %add3A_358, %iota3A : vector<16xi32>
          %ge3A = vector.broadcast %add3A_182 : i32 to vector<16xi32>
          %ge3A_360 = arith.cmpi sge, %add3A_359, %ge3A : vector<16xi32>
          %and3A_361 = arith.andi %ne3A_357, %ge3A_360 : vector<16xi1>
          %ne3A_362 = vector.broadcast %squeeze3A_195 : i32 to vector<16xi32>
          %ne3A_363 = arith.cmpi ne, %get3A_343, %ne3A_362 : vector<16xi32>
          %and3A_364 = arith.andi %and3A_361, %ne3A_363 : vector<16xi1>
          %gather3A = tpu.vector_load_idx %arg18[%get3A_343] : memref<32000xf32, #tpu.memory_space<vmem>>[vector<16xi32>], vector<16xf32>,
          %jit3A_365 = arith.constant 0.000000e+00 : f32
          %broadcast_in_dim3A_366 = vector.broadcast %jit3A_365 : f32 to vector<16xf32>
          %select_n3A_367 = arith.select %and3A_364, %gather3A, %broadcast_in_dim3A_366 : vector<16xi1>, vector<16xf32>
          %add3A_368 = arith.addf %while3A_337, %select_n3A_367 : vector<16xf32>
          %jit3A_369 = arith.constant 1.000000e+00 : f32
          %jit3A_370 = arith.constant 0.000000e+00 : f32
          %broadcast_in_dim3A_371 = vector.broadcast %jit3A_369 : f32 to vector<16xf32>
          %broadcast_in_dim3A_372 = vector.broadcast %jit3A_370 : f32 to vector<16xf32>
          %select_n3A_373 = arith.select %and3A_364, %broadcast_in_dim3A_371, %broadcast_in_dim3A_372 : vector<16xi1>, vector<16xf32>
          %add3A_374 = arith.addf %while3A_338, %select_n3A_373 : vector<16xf32>
          scf.yield %add3A_368, %add3A_374 : vector<16xf32>, vector<16xf32>
        }
        %while3A_324 = arith.constant 1 : i32
        %while3A_325:2 = scf.for %while3A_336 = %while3A_321 to %while3A_317 step %while3A_324 iter_args(%while3A_337 = %while3A_323#0, %while3A_338 = %while3A_323#1) -> (vector<16xf32>, vector<16xf32>)  : i32 {
          %mul3A_339 = arith.constant 16 : i32
          %mul3A_340 = arith.muli %while3A_336, %mul3A_339 : i32
          %add3A_341 = arith.addi %mul3A_197, %mul3A_340 : i32
          %get3A_342 = arith.index_cast %add3A_341 : i32 to index
          %get3A_343 = tpu.vector_load %arg9[%get3A_342] {strides = array<i32>} : memref<16384xi32, #tpu.memory_space<vmem>>, vector<16xi32>,
          %mul3A_344 = arith.constant 128 : i32
          %mul3A_345 = arith.muli %select_n3A_175, %mul3A_344 : i32
          %add3A_346 = arith.addi %mul3A_345, %while3A_336 : i32
          %get3A_347 = arith.index_cast %add3A_346 : i32 to index
          %get3A_348 = tpu.vector_load %arg10[%get3A_347] {strides = array<i32>} : memref<1040xi32, #tpu.memory_space<vmem>>, vector<16xi32>,
          %slice3A_349 = vector.extract_strided_slice %get3A_348 {offsets = [0], sizes = [1], strides = [1]} : vector<16xi32> to vector<1xi32>
          %squeeze3A_350 = vector.extract %slice3A_349[0] : i32 from vector<1xi32>
          %broadcast_in_dim3A_351 = vector.broadcast %squeeze3A_350 : i32 to vector<16xi32>
          %shift_right_logical3A = arith.shrui %broadcast_in_dim3A_351, %iota3A : vector<16xi32>
          %and3A_352 = arith.constant 1 : i32
          %and3A_353 = vector.broadcast %and3A_352 : i32 to vector<16xi32>
          %and3A_354 = arith.andi %shift_right_logical3A, %and3A_353 : vector<16xi32>
          %ne3A_355 = arith.constant 0 : i32
          %ne3A_356 = vector.broadcast %ne3A_355 : i32 to vector<16xi32>
          %ne3A_357 = arith.cmpi ne, %and3A_354, %ne3A_356 : vector<16xi32>
          %add3A_358 = vector.broadcast %mul3A_340 : i32 to vector<16xi32>
          %add3A_359 = arith.addi %add3A_358, %iota3A : vector<16xi32>
          %ge3A = vector.broadcast %add3A_182 : i32 to vector<16xi32>
          %ge3A_360 = arith.cmpi sge, %add3A_359, %ge3A : vector<16xi32>
          %and3A_361 = arith.andi %ne3A_357, %ge3A_360 : vector<16xi1>
          %ne3A_362 = vector.broadcast %squeeze3A_195 : i32 to vector<16xi32>
          %ne3A_363 = arith.cmpi ne, %get3A_343, %ne3A_362 : vector<16xi32>
          %and3A_364 = arith.andi %and3A_361, %ne3A_363 : vector<16xi1>
          %gather3A = tpu.vector_load_idx %arg18[%get3A_343] : memref<32000xf32, #tpu.memory_space<vmem>>[vector<16xi32>], vector<16xf32>,
          %jit3A_365 = arith.constant 0.000000e+00 : f32
          %broadcast_in_dim3A_366 = vector.broadcast %jit3A_365 : f32 to vector<16xf32>
          %select_n3A_367 = arith.select %and3A_364, %gather3A, %broadcast_in_dim3A_366 : vector<16xi1>, vector<16xf32>
          %add3A_368 = arith.addf %while3A_337, %select_n3A_367 : vector<16xf32>
          %jit3A_369 = arith.constant 1.000000e+00 : f32
          %jit3A_370 = arith.constant 0.000000e+00 : f32
          %broadcast_in_dim3A_371 = vector.broadcast %jit3A_369 : f32 to vector<16xf32>
          %broadcast_in_dim3A_372 = vector.broadcast %jit3A_370 : f32 to vector<16xf32>
          %select_n3A_373 = arith.select %and3A_364, %broadcast_in_dim3A_371, %broadcast_in_dim3A_372 : vector<16xi1>, vector<16xf32>
          %add3A_374 = arith.addf %while3A_338, %select_n3A_373 : vector<16xf32>
          scf.yield %add3A_368, %add3A_374 : vector<16xf32>, vector<16xf32>
        }
        %broadcast_in_dim3A_326 = vector.broadcast %add3A_135 : i32 to vector<16xi32>
        %reduce_sum3A = arith.constant true
        %reduce_sum3A_327 = vector.broadcast %reduce_sum3A : i1 to vector<16xi1>
        %reduce_sum3A_328 = tpu.scan <sum>, %while3A_325#0 masked %reduce_sum3A_327 : vector<16xf32>, vector<16xi1> -> vector<16xf32>
        %reduce_sum3A_329 = vector.extract %reduce_sum3A_328[15] : f32 from vector<16xf32>
        %broadcast_in_dim3A_330 = vector.broadcast %reduce_sum3A_329 : f32 to vector<16xf32>
        tpu.vector_store_idx %arg15[%broadcast_in_dim3A_326], %broadcast_in_dim3A_330 masked %eq3A_3 : memref<128xf32, #tpu.memory_space<vmem>>[vector<16xi32>], vector<16xf32>, vector<16xi1>
        %reduce_sum3A_331 = arith.constant true
        %reduce_sum3A_332 = vector.broadcast %reduce_sum3A_331 : i1 to vector<16xi1>
        %reduce_sum3A_333 = tpu.scan <sum>, %while3A_325#1 masked %reduce_sum3A_332 : vector<16xf32>, vector<16xi1> -> vector<16xf32>
        %reduce_sum3A_334 = vector.extract %reduce_sum3A_333[15] : f32 from vector<16xf32>
        %broadcast_in_dim3A_335 = vector.broadcast %reduce_sum3A_334 : f32 to vector<16xf32>
        tpu.vector_store_idx %arg16[%broadcast_in_dim3A_326], %broadcast_in_dim3A_335 masked %eq3A_3 : memref<128xf32, #tpu.memory_space<vmem>>[vector<16xi32>], vector<16xf32>, vector<16xi1>
      } else {
      }
      %add3A_201 = arith.constant 2 : i32
      %add3A_202 = arith.addi %add3A_135, %add3A_201 : i32
      %lt3A_203 = arith.constant 128 : i32
      %lt3A_204 = arith.cmpi slt, %add3A_202, %lt3A_203 : i32
      %convert_element_type3A_205 = arith.extui %lt3A_204 : i1 to i32
      %cond3A_206 = arith.constant 0 : i32
      %cond3A_207 = arith.cmpi ne, %convert_element_type3A_205, %cond3A_206 : i32
      scf.if %cond3A_207 {
        %add3A_284 = arith.constant 2 : i32
        %add3A_285 = arith.addi %add3A_135, %add3A_284 : i32
        %jit3A_286 = arith.constant 8 : i32
        %div3A_287 = arith.divsi %add3A_285, %jit3A_286 : i32
        %sign3A_288 = arith.constant 0 : i32
        %sign3A_289 = arith.cmpi sgt, %add3A_285, %sign3A_288 : i32
        %sign3A_290 = arith.extui %sign3A_289 : i1 to i32
        %sign3A_291 = arith.constant 0 : i32
        %sign3A_292 = arith.cmpi slt, %add3A_285, %sign3A_291 : i32
        %sign3A_293 = arith.extui %sign3A_292 : i1 to i32
        %sign3A_294 = arith.subi %sign3A_290, %sign3A_293 : i32
        %sign3A_295 = arith.constant 0 : i32
        %sign3A_296 = arith.cmpi sgt, %jit3A_286, %sign3A_295 : i32
        %sign3A_297 = arith.extui %sign3A_296 : i1 to i32
        %sign3A_298 = arith.constant 0 : i32
        %sign3A_299 = arith.cmpi slt, %jit3A_286, %sign3A_298 : i32
        %sign3A_300 = arith.extui %sign3A_299 : i1 to i32
        %sign3A_301 = arith.subi %sign3A_297, %sign3A_300 : i32
        %ne3A_302 = arith.cmpi ne, %sign3A_294, %sign3A_301 : i32
        %rem3A_303 = arith.remsi %add3A_285, %jit3A_286 : i32
        %ne3A_304 = arith.constant 0 : i32
        %ne3A_305 = arith.cmpi ne, %rem3A_303, %ne3A_304 : i32
        %and3A_306 = arith.andi %ne3A_302, %ne3A_305 : i1
        %sub3A_307 = arith.constant 1 : i32
        %sub3A_308 = arith.subi %div3A_287, %sub3A_307 : i32
        %select_n3A_309 = arith.select %and3A_306, %sub3A_308, %div3A_287 : i32
        %jit3A_310 = arith.constant 8 : i32
        %eq3A_311 = arith.constant 0 : i32
        %eq3A_312 = arith.cmpi eq, %jit3A_310, %eq3A_311 : i32
        %jit3A_313 = arith.constant 1 : i32
        %select_n3A_314 = arith.select %eq3A_312, %jit3A_313, %jit3A_310 : i32
        %rem3A_315 = arith.remsi %add3A_285, %select_n3A_314 : i32
        %ne3A_316 = arith.constant 0 : i32
        %ne3A_317 = arith.cmpi ne, %rem3A_315, %ne3A_316 : i32
        %lt3A_318 = arith.constant 0 : i32
        %lt3A_319 = arith.cmpi slt, %rem3A_315, %lt3A_318 : i32
        %lt3A_320 = arith.constant 0 : i32
        %lt3A_321 = arith.cmpi slt, %select_n3A_314, %lt3A_320 : i32
        %ne3A_322 = arith.xori %lt3A_319, %lt3A_321 : i1
        %and3A_323 = arith.andi %ne3A_322, %ne3A_317 : i1
        %add3A_324 = arith.addi %rem3A_315, %select_n3A_314 : i32
        %select_n3A_325 = arith.select %and3A_323, %add3A_324, %rem3A_315 : i32
        %mul3A_326 = arith.constant 32 : i32
        %mul3A_327 = arith.muli %mul3A_326, %select_n3A_309 : i32
        %add3A_328 = arith.addi %add3A, %mul3A_327 : i32
        %mul3A_329 = arith.constant 8 : i32
        %mul3A_330 = arith.muli %mul3A_329, %add3A_328 : i32
        %add3A_331 = arith.addi %mul3A_330, %select_n3A_325 : i32
        %add3A_332 = arith.addi %squeeze3A, %add3A_328 : i32
        %add3A_333 = arith.constant 1 : i32
        %add3A_334 = arith.addi %add3A_333, %select_n3A_325 : i32
        %get3A_335 = arith.index_cast %add3A_334 : i32 to index
        %get3A_336 = tpu.vector_load %arg13[%get3A_335] {strides = array<i32>} : memref<32xi32, #tpu.memory_space<vmem>>, vector<16xi32>,
        %slice3A_337 = vector.extract_strided_slice %get3A_336 {offsets = [0], sizes = [1], strides = [1]} : vector<16xi32> to vector<1xi32>
        %squeeze3A_338 = vector.extract %slice3A_337[0] : i32 from vector<1xi32>
        %sub3A_339 = arith.constant 2 : i32
        %sub3A_340 = arith.subi %squeeze3A_338, %sub3A_339 : i32
        %lt3A_341 = arith.cmpi slt, %add3A_332, %sub3A_340 : i32
        %get3A_342 = arith.index_cast %add3A_331 : i32 to index
        %get3A_343 = tpu.vector_load %arg12[%get3A_342] {strides = array<i32>} : memref<4112xi32, #tpu.memory_space<vmem>>, vector<16xi32>,
        %slice3A_344 = vector.extract_strided_slice %get3A_343 {offsets = [0], sizes = [1], strides = [1]} : vector<16xi32> to vector<1xi32>
        %squeeze3A_345 = vector.extract %slice3A_344[0] : i32 from vector<1xi32>
        %jit3A_346 = arith.constant 16 : i32
        %div3A_347 = arith.divsi %squeeze3A_345, %jit3A_346 : i32
        %sign3A_348 = arith.constant 0 : i32
        %sign3A_349 = arith.cmpi sgt, %squeeze3A_345, %sign3A_348 : i32
        %sign3A_350 = arith.extui %sign3A_349 : i1 to i32
        %sign3A_351 = arith.constant 0 : i32
        %sign3A_352 = arith.cmpi slt, %squeeze3A_345, %sign3A_351 : i32
        %sign3A_353 = arith.extui %sign3A_352 : i1 to i32
        %sign3A_354 = arith.subi %sign3A_350, %sign3A_353 : i32
        %sign3A_355 = arith.constant 0 : i32
        %sign3A_356 = arith.cmpi sgt, %jit3A_346, %sign3A_355 : i32
        %sign3A_357 = arith.extui %sign3A_356 : i1 to i32
        %sign3A_358 = arith.constant 0 : i32
        %sign3A_359 = arith.cmpi slt, %jit3A_346, %sign3A_358 : i32
        %sign3A_360 = arith.extui %sign3A_359 : i1 to i32
        %sign3A_361 = arith.subi %sign3A_357, %sign3A_360 : i32
        %ne3A_362 = arith.cmpi ne, %sign3A_354, %sign3A_361 : i32
        %rem3A_363 = arith.remsi %squeeze3A_345, %jit3A_346 : i32
        %ne3A_364 = arith.constant 0 : i32
        %ne3A_365 = arith.cmpi ne, %rem3A_363, %ne3A_364 : i32
        %and3A_366 = arith.andi %ne3A_362, %ne3A_365 : i1
        %sub3A_367 = arith.constant 1 : i32
        %sub3A_368 = arith.subi %div3A_347, %sub3A_367 : i32
        %select_n3A_369 = arith.select %and3A_366, %sub3A_368, %div3A_347 : i32
        %mul3A_370 = arith.constant 16 : i32
        %mul3A_371 = arith.muli %select_n3A_369, %mul3A_370 : i32
        %mul3A_372 = arith.constant 16 : i32
        %mul3A_373 = arith.muli %add3A_285, %mul3A_372 : i32
        %dma_start3A_374 = tpu.memref_slice %arg14[%mul3A_373] : memref<2048xf32, #tpu.memory_space<vmem>> -> memref<16xf32, #tpu.memory_space<vmem>>
        %dma_start3A_375 = tpu.memref_slice %arg2[%add3A_331, %mul3A_371] : memref<4096x32000xf32, #tpu.memory_space<hbm>> -> memref<1x16xf32, #tpu.memory_space<hbm>>
        %dma_start3A_376 = tpu.memref_squeeze %dma_start3A_375 : memref<1x16xf32, #tpu.memory_space<hbm>> -> memref<16xf32, #tpu.memory_space<hbm>>
        %dma_start3A_377 = tpu.memref_slice %arg14[%mul3A_373] : memref<2048xf32, #tpu.memory_space<vmem>> -> memref<16xf32, #tpu.memory_space<vmem>>
        %dma_start3A_378 = tpu.memref_slice %arg2[%add3A_331, %mul3A_371] : memref<4096x32000xf32, #tpu.memory_space<hbm>> -> memref<1x16xf32, #tpu.memory_space<hbm>>
        %dma_start3A_379 = tpu.memref_squeeze %dma_start3A_378 : memref<1x16xf32, #tpu.memory_space<hbm>> -> memref<16xf32, #tpu.memory_space<hbm>>
        tpu.enqueue_dma source(%dma_start3A_379 : memref<16xf32, #tpu.memory_space<hbm>>) target(%dma_start3A_377 : memref<16xf32, #tpu.memory_space<vmem>>) target_semaphore(%arg22 : memref<!tpu.dma_semaphore, #tpu.memory_space<semaphore_mem>>)
        %convert_element_type3A_380 = arith.extui %lt3A_341 : i1 to i32
        %cond3A_381 = arith.constant 0 : i32
        %cond3A_382 = arith.cmpi ne, %convert_element_type3A_380, %cond3A_381 : i32
        scf.if %cond3A_382 {
          %dma_start3A_383 = arith.constant 0 : i32
          %dma_start3A_384 = tpu.memref_slice %arg2[%add3A_331, %dma_start3A_383] : memref<4096x32000xf32, #tpu.memory_space<hbm>> -> memref<1x32000xf32, #tpu.memory_space<hbm>>
          %dma_start3A_385 = tpu.memref_squeeze %dma_start3A_384 : memref<1x32000xf32, #tpu.memory_space<hbm>> -> memref<32000xf32, #tpu.memory_space<hbm>>
          %dma_start3A_386 = arith.constant 0 : i32
          %dma_start3A_387 = tpu.memref_slice %arg2[%add3A_331, %dma_start3A_386] : memref<4096x32000xf32, #tpu.memory_space<hbm>> -> memref<1x32000xf32, #tpu.memory_space<hbm>>
          %dma_start3A_388 = tpu.memref_squeeze %dma_start3A_387 : memref<1x32000xf32, #tpu.memory_space<hbm>> -> memref<32000xf32, #tpu.memory_space<hbm>>
          tpu.enqueue_dma source(%dma_start3A_388 : memref<32000xf32, #tpu.memory_space<hbm>>) target(%arg18 : memref<32000xf32, #tpu.memory_space<vmem>>) target_semaphore(%arg20 : memref<!tpu.dma_semaphore, #tpu.memory_space<semaphore_mem>>)
        } else {
        }
      } else {
      }
      %mul3A_208 = arith.constant 2 : i32
      %mul3A_209 = arith.muli %mul3A_208, %scan3A_131 : i32
      %add3A_210 = arith.constant 1 : i32
      %add3A_211 = arith.addi %mul3A_209, %add3A_210 : i32
      %jit3A_212 = arith.constant 8 : i32
      %div3A_213 = arith.divsi %add3A_211, %jit3A_212 : i32
      %sign3A_214 = arith.constant 0 : i32
      %sign3A_215 = arith.cmpi sgt, %add3A_211, %sign3A_214 : i32
      %sign3A_216 = arith.extui %sign3A_215 : i1 to i32
      %sign3A_217 = arith.constant 0 : i32
      %sign3A_218 = arith.cmpi slt, %add3A_211, %sign3A_217 : i32
      %sign3A_219 = arith.extui %sign3A_218 : i1 to i32
      %sign3A_220 = arith.subi %sign3A_216, %sign3A_219 : i32
      %sign3A_221 = arith.constant 0 : i32
      %sign3A_222 = arith.cmpi sgt, %jit3A_212, %sign3A_221 : i32
      %sign3A_223 = arith.extui %sign3A_222 : i1 to i32
      %sign3A_224 = arith.constant 0 : i32
      %sign3A_225 = arith.cmpi slt, %jit3A_212, %sign3A_224 : i32
      %sign3A_226 = arith.extui %sign3A_225 : i1 to i32
      %sign3A_227 = arith.subi %sign3A_223, %sign3A_226 : i32
      %ne3A_228 = arith.cmpi ne, %sign3A_220, %sign3A_227 : i32
      %rem3A_229 = arith.remsi %add3A_211, %jit3A_212 : i32
      %ne3A_230 = arith.constant 0 : i32
      %ne3A_231 = arith.cmpi ne, %rem3A_229, %ne3A_230 : i32
      %and3A_232 = arith.andi %ne3A_228, %ne3A_231 : i1
      %sub3A_233 = arith.constant 1 : i32
      %sub3A_234 = arith.subi %div3A_213, %sub3A_233 : i32
      %select_n3A_235 = arith.select %and3A_232, %sub3A_234, %div3A_213 : i32
      %jit3A_236 = arith.constant 8 : i32
      %eq3A_237 = arith.constant 0 : i32
      %eq3A_238 = arith.cmpi eq, %jit3A_236, %eq3A_237 : i32
      %jit3A_239 = arith.constant 1 : i32
      %select_n3A_240 = arith.select %eq3A_238, %jit3A_239, %jit3A_236 : i32
      %rem3A_241 = arith.remsi %add3A_211, %select_n3A_240 : i32
      %ne3A_242 = arith.constant 0 : i32
      %ne3A_243 = arith.cmpi ne, %rem3A_241, %ne3A_242 : i32
      %lt3A_244 = arith.constant 0 : i32
      %lt3A_245 = arith.cmpi slt, %rem3A_241, %lt3A_244 : i32
      %lt3A_246 = arith.constant 0 : i32
      %lt3A_247 = arith.cmpi slt, %select_n3A_240, %lt3A_246 : i32
      %ne3A_248 = arith.xori %lt3A_245, %lt3A_247 : i1
      %and3A_249 = arith.andi %ne3A_248, %ne3A_243 : i1
      %add3A_250 = arith.addi %rem3A_241, %select_n3A_240 : i32
      %select_n3A_251 = arith.select %and3A_249, %add3A_250, %rem3A_241 : i32
      %mul3A_252 = arith.constant 32 : i32
      %mul3A_253 = arith.muli %mul3A_252, %select_n3A_235 : i32
      %add3A_254 = arith.addi %add3A, %mul3A_253 : i32
      %mul3A_255 = arith.constant 8 : i32
      %mul3A_256 = arith.muli %mul3A_255, %add3A_254 : i32
      %add3A_257 = arith.addi %mul3A_256, %select_n3A_251 : i32
      %add3A_258 = arith.addi %squeeze3A, %add3A_254 : i32
      %add3A_259 = arith.constant 1 : i32
      %add3A_260 = arith.addi %add3A_259, %select_n3A_251 : i32
      %get3A_261 = arith.index_cast %add3A_260 : i32 to index
      %get3A_262 = tpu.vector_load %arg13[%get3A_261] {strides = array<i32>} : memref<32xi32, #tpu.memory_space<vmem>>, vector<16xi32>,
      %slice3A_263 = vector.extract_strided_slice %get3A_262 {offsets = [0], sizes = [1], strides = [1]} : vector<16xi32> to vector<1xi32>
      %squeeze3A_264 = vector.extract %slice3A_263[0] : i32 from vector<1xi32>
      %sub3A_265 = arith.constant 2 : i32
      %sub3A_266 = arith.subi %squeeze3A_264, %sub3A_265 : i32
      %lt3A_267 = arith.cmpi slt, %add3A_258, %sub3A_266 : i32
      %get3A_268 = arith.index_cast %add3A_257 : i32 to index
      %get3A_269 = tpu.vector_load %arg12[%get3A_268] {strides = array<i32>} : memref<4112xi32, #tpu.memory_space<vmem>>, vector<16xi32>,
      %slice3A_270 = vector.extract_strided_slice %get3A_269 {offsets = [0], sizes = [1], strides = [1]} : vector<16xi32> to vector<1xi32>
      %squeeze3A_271 = vector.extract %slice3A_270[0] : i32 from vector<1xi32>
      %mul3A_272 = arith.constant 2048 : i32
      %mul3A_273 = arith.muli %select_n3A_251, %mul3A_272 : i32
      %convert_element_type3A_274 = arith.extui %lt3A_267 : i1 to i32
      %cond3A_275 = arith.constant 0 : i32
      %cond3A_276 = arith.cmpi ne, %convert_element_type3A_274, %cond3A_275 : i32
      scf.if %cond3A_276 {
        %dma_wait3A = arith.constant 0 : i32
        %dma_wait3A_284 = tpu.memref_slice %arg2[%add3A_257, %dma_wait3A] : memref<4096x32000xf32, #tpu.memory_space<hbm>> -> memref<1x32000xf32, #tpu.memory_space<hbm>>
        %dma_wait3A_285 = tpu.memref_squeeze %dma_wait3A_284 : memref<1x32000xf32, #tpu.memory_space<hbm>> -> memref<32000xf32, #tpu.memory_space<hbm>>
        %dma_wait3A_286 = arith.constant 0 : i32
        %dma_wait3A_287 = tpu.memref_slice %arg2[%add3A_257, %dma_wait3A_286] : memref<4096x32000xf32, #tpu.memory_space<hbm>> -> memref<1x32000xf32, #tpu.memory_space<hbm>>
        %dma_wait3A_288 = tpu.memref_squeeze %dma_wait3A_287 : memref<1x32000xf32, #tpu.memory_space<hbm>> -> memref<32000xf32, #tpu.memory_space<hbm>>
        tpu.wait_dma2 semaphore(%arg21 : memref<!tpu.dma_semaphore, #tpu.memory_space<semaphore_mem>>) src(%dma_wait3A_288 : memref<32000xf32, #tpu.memory_space<hbm>>) dst(%arg19 : memref<32000xf32, #tpu.memory_space<vmem>>)
        %jit3A_289 = arith.constant 16 : i32
        %div3A_290 = arith.divsi %add3A_258, %jit3A_289 : i32
        %sign3A_291 = arith.constant 0 : i32
        %sign3A_292 = arith.cmpi sgt, %add3A_258, %sign3A_291 : i32
        %sign3A_293 = arith.extui %sign3A_292 : i1 to i32
        %sign3A_294 = arith.constant 0 : i32
        %sign3A_295 = arith.cmpi slt, %add3A_258, %sign3A_294 : i32
        %sign3A_296 = arith.extui %sign3A_295 : i1 to i32
        %sign3A_297 = arith.subi %sign3A_293, %sign3A_296 : i32
        %sign3A_298 = arith.constant 0 : i32
        %sign3A_299 = arith.cmpi sgt, %jit3A_289, %sign3A_298 : i32
        %sign3A_300 = arith.extui %sign3A_299 : i1 to i32
        %sign3A_301 = arith.constant 0 : i32
        %sign3A_302 = arith.cmpi slt, %jit3A_289, %sign3A_301 : i32
        %sign3A_303 = arith.extui %sign3A_302 : i1 to i32
        %sign3A_304 = arith.subi %sign3A_300, %sign3A_303 : i32
        %ne3A_305 = arith.cmpi ne, %sign3A_297, %sign3A_304 : i32
        %rem3A_306 = arith.remsi %add3A_258, %jit3A_289 : i32
        %ne3A_307 = arith.constant 0 : i32
        %ne3A_308 = arith.cmpi ne, %rem3A_306, %ne3A_307 : i32
        %and3A_309 = arith.andi %ne3A_305, %ne3A_308 : i1
        %sub3A_310 = arith.constant 1 : i32
        %sub3A_311 = arith.subi %div3A_290, %sub3A_310 : i32
        %select_n3A_312 = arith.select %and3A_309, %sub3A_311, %div3A_290 : i32
        %broadcast_in_dim3A = arith.constant 0.000000e+00 : f32
        %broadcast_in_dim3A_313 = vector.broadcast %broadcast_in_dim3A : f32 to vector<16xf32>
        %broadcast_in_dim3A_314 = arith.constant 0.000000e+00 : f32
        %broadcast_in_dim3A_315 = vector.broadcast %broadcast_in_dim3A_314 : f32 to vector<16xf32>
        %while3A = arith.constant 128 : i32
        %while3A_316 = arith.subi %while3A, %select_n3A_312 : i32
        %while3A_317 = arith.addi %select_n3A_312, %while3A_316 : i32
        %while3A_318 = arith.constant 1 : i32
        %while3A_319 = arith.divsi %while3A_316, %while3A_318 : i32
        %while3A_320 = arith.muli %while3A_319, %while3A_318 : i32
        %while3A_321 = arith.addi %select_n3A_312, %while3A_320 : i32
        %while3A_322 = arith.constant 1 : i32
        %while3A_323:2 = scf.for %while3A_336 = %select_n3A_312 to %while3A_321 step %while3A_322 iter_args(%while3A_337 = %broadcast_in_dim3A_313, %while3A_338 = %broadcast_in_dim3A_315) -> (vector<16xf32>, vector<16xf32>)  : i32 {
          %mul3A_339 = arith.constant 16 : i32
          %mul3A_340 = arith.muli %while3A_336, %mul3A_339 : i32
          %add3A_341 = arith.addi %mul3A_273, %mul3A_340 : i32
          %get3A_342 = arith.index_cast %add3A_341 : i32 to index
          %get3A_343 = tpu.vector_load %arg9[%get3A_342] {strides = array<i32>} : memref<16384xi32, #tpu.memory_space<vmem>>, vector<16xi32>,
          %mul3A_344 = arith.constant 128 : i32
          %mul3A_345 = arith.muli %select_n3A_251, %mul3A_344 : i32
          %add3A_346 = arith.addi %mul3A_345, %while3A_336 : i32
          %get3A_347 = arith.index_cast %add3A_346 : i32 to index
          %get3A_348 = tpu.vector_load %arg10[%get3A_347] {strides = array<i32>} : memref<1040xi32, #tpu.memory_space<vmem>>, vector<16xi32>,
          %slice3A_349 = vector.extract_strided_slice %get3A_348 {offsets = [0], sizes = [1], strides = [1]} : vector<16xi32> to vector<1xi32>
          %squeeze3A_350 = vector.extract %slice3A_349[0] : i32 from vector<1xi32>
          %broadcast_in_dim3A_351 = vector.broadcast %squeeze3A_350 : i32 to vector<16xi32>
          %shift_right_logical3A = arith.shrui %broadcast_in_dim3A_351, %iota3A : vector<16xi32>
          %and3A_352 = arith.constant 1 : i32
          %and3A_353 = vector.broadcast %and3A_352 : i32 to vector<16xi32>
          %and3A_354 = arith.andi %shift_right_logical3A, %and3A_353 : vector<16xi32>
          %ne3A_355 = arith.constant 0 : i32
          %ne3A_356 = vector.broadcast %ne3A_355 : i32 to vector<16xi32>
          %ne3A_357 = arith.cmpi ne, %and3A_354, %ne3A_356 : vector<16xi32>
          %add3A_358 = vector.broadcast %mul3A_340 : i32 to vector<16xi32>
          %add3A_359 = arith.addi %add3A_358, %iota3A : vector<16xi32>
          %ge3A = vector.broadcast %add3A_258 : i32 to vector<16xi32>
          %ge3A_360 = arith.cmpi sge, %add3A_359, %ge3A : vector<16xi32>
          %and3A_361 = arith.andi %ne3A_357, %ge3A_360 : vector<16xi1>
          %ne3A_362 = vector.broadcast %squeeze3A_271 : i32 to vector<16xi32>
          %ne3A_363 = arith.cmpi ne, %get3A_343, %ne3A_362 : vector<16xi32>
          %and3A_364 = arith.andi %and3A_361, %ne3A_363 : vector<16xi1>
          %gather3A = tpu.vector_load_idx %arg19[%get3A_343] : memref<32000xf32, #tpu.memory_space<vmem>>[vector<16xi32>], vector<16xf32>,
          %jit3A_365 = arith.constant 0.000000e+00 : f32
          %broadcast_in_dim3A_366 = vector.broadcast %jit3A_365 : f32 to vector<16xf32>
          %select_n3A_367 = arith.select %and3A_364, %gather3A, %broadcast_in_dim3A_366 : vector<16xi1>, vector<16xf32>
          %add3A_368 = arith.addf %while3A_337, %select_n3A_367 : vector<16xf32>
          %jit3A_369 = arith.constant 1.000000e+00 : f32
          %jit3A_370 = arith.constant 0.000000e+00 : f32
          %broadcast_in_dim3A_371 = vector.broadcast %jit3A_369 : f32 to vector<16xf32>
          %broadcast_in_dim3A_372 = vector.broadcast %jit3A_370 : f32 to vector<16xf32>
          %select_n3A_373 = arith.select %and3A_364, %broadcast_in_dim3A_371, %broadcast_in_dim3A_372 : vector<16xi1>, vector<16xf32>
          %add3A_374 = arith.addf %while3A_338, %select_n3A_373 : vector<16xf32>
          scf.yield %add3A_368, %add3A_374 : vector<16xf32>, vector<16xf32>
        }
        %while3A_324 = arith.constant 1 : i32
        %while3A_325:2 = scf.for %while3A_336 = %while3A_321 to %while3A_317 step %while3A_324 iter_args(%while3A_337 = %while3A_323#0, %while3A_338 = %while3A_323#1) -> (vector<16xf32>, vector<16xf32>)  : i32 {
          %mul3A_339 = arith.constant 16 : i32
          %mul3A_340 = arith.muli %while3A_336, %mul3A_339 : i32
          %add3A_341 = arith.addi %mul3A_273, %mul3A_340 : i32
          %get3A_342 = arith.index_cast %add3A_341 : i32 to index
          %get3A_343 = tpu.vector_load %arg9[%get3A_342] {strides = array<i32>} : memref<16384xi32, #tpu.memory_space<vmem>>, vector<16xi32>,
          %mul3A_344 = arith.constant 128 : i32
          %mul3A_345 = arith.muli %select_n3A_251, %mul3A_344 : i32
          %add3A_346 = arith.addi %mul3A_345, %while3A_336 : i32
          %get3A_347 = arith.index_cast %add3A_346 : i32 to index
          %get3A_348 = tpu.vector_load %arg10[%get3A_347] {strides = array<i32>} : memref<1040xi32, #tpu.memory_space<vmem>>, vector<16xi32>,
          %slice3A_349 = vector.extract_strided_slice %get3A_348 {offsets = [0], sizes = [1], strides = [1]} : vector<16xi32> to vector<1xi32>
          %squeeze3A_350 = vector.extract %slice3A_349[0] : i32 from vector<1xi32>
          %broadcast_in_dim3A_351 = vector.broadcast %squeeze3A_350 : i32 to vector<16xi32>
          %shift_right_logical3A = arith.shrui %broadcast_in_dim3A_351, %iota3A : vector<16xi32>
          %and3A_352 = arith.constant 1 : i32
          %and3A_353 = vector.broadcast %and3A_352 : i32 to vector<16xi32>
          %and3A_354 = arith.andi %shift_right_logical3A, %and3A_353 : vector<16xi32>
          %ne3A_355 = arith.constant 0 : i32
          %ne3A_356 = vector.broadcast %ne3A_355 : i32 to vector<16xi32>
          %ne3A_357 = arith.cmpi ne, %and3A_354, %ne3A_356 : vector<16xi32>
          %add3A_358 = vector.broadcast %mul3A_340 : i32 to vector<16xi32>
          %add3A_359 = arith.addi %add3A_358, %iota3A : vector<16xi32>
          %ge3A = vector.broadcast %add3A_258 : i32 to vector<16xi32>
          %ge3A_360 = arith.cmpi sge, %add3A_359, %ge3A : vector<16xi32>
          %and3A_361 = arith.andi %ne3A_357, %ge3A_360 : vector<16xi1>
          %ne3A_362 = vector.broadcast %squeeze3A_271 : i32 to vector<16xi32>
          %ne3A_363 = arith.cmpi ne, %get3A_343, %ne3A_362 : vector<16xi32>
          %and3A_364 = arith.andi %and3A_361, %ne3A_363 : vector<16xi1>
          %gather3A = tpu.vector_load_idx %arg19[%get3A_343] : memref<32000xf32, #tpu.memory_space<vmem>>[vector<16xi32>], vector<16xf32>,
          %jit3A_365 = arith.constant 0.000000e+00 : f32
          %broadcast_in_dim3A_366 = vector.broadcast %jit3A_365 : f32 to vector<16xf32>
          %select_n3A_367 = arith.select %and3A_364, %gather3A, %broadcast_in_dim3A_366 : vector<16xi1>, vector<16xf32>
          %add3A_368 = arith.addf %while3A_337, %select_n3A_367 : vector<16xf32>
          %jit3A_369 = arith.constant 1.000000e+00 : f32
          %jit3A_370 = arith.constant 0.000000e+00 : f32
          %broadcast_in_dim3A_371 = vector.broadcast %jit3A_369 : f32 to vector<16xf32>
          %broadcast_in_dim3A_372 = vector.broadcast %jit3A_370 : f32 to vector<16xf32>
          %select_n3A_373 = arith.select %and3A_364, %broadcast_in_dim3A_371, %broadcast_in_dim3A_372 : vector<16xi1>, vector<16xf32>
          %add3A_374 = arith.addf %while3A_338, %select_n3A_373 : vector<16xf32>
          scf.yield %add3A_368, %add3A_374 : vector<16xf32>, vector<16xf32>
        }
        %broadcast_in_dim3A_326 = vector.broadcast %add3A_211 : i32 to vector<16xi32>
        %reduce_sum3A = arith.constant true
        %reduce_sum3A_327 = vector.broadcast %reduce_sum3A : i1 to vector<16xi1>
        %reduce_sum3A_328 = tpu.scan <sum>, %while3A_325#0 masked %reduce_sum3A_327 : vector<16xf32>, vector<16xi1> -> vector<16xf32>
        %reduce_sum3A_329 = vector.extract %reduce_sum3A_328[15] : f32 from vector<16xf32>
        %broadcast_in_dim3A_330 = vector.broadcast %reduce_sum3A_329 : f32 to vector<16xf32>
        tpu.vector_store_idx %arg15[%broadcast_in_dim3A_326], %broadcast_in_dim3A_330 masked %eq3A_3 : memref<128xf32, #tpu.memory_space<vmem>>[vector<16xi32>], vector<16xf32>, vector<16xi1>
        %reduce_sum3A_331 = arith.constant true
        %reduce_sum3A_332 = vector.broadcast %reduce_sum3A_331 : i1 to vector<16xi1>
        %reduce_sum3A_333 = tpu.scan <sum>, %while3A_325#1 masked %reduce_sum3A_332 : vector<16xf32>, vector<16xi1> -> vector<16xf32>
        %reduce_sum3A_334 = vector.extract %reduce_sum3A_333[15] : f32 from vector<16xf32>
        %broadcast_in_dim3A_335 = vector.broadcast %reduce_sum3A_334 : f32 to vector<16xf32>
        tpu.vector_store_idx %arg16[%broadcast_in_dim3A_326], %broadcast_in_dim3A_335 masked %eq3A_3 : memref<128xf32, #tpu.memory_space<vmem>>[vector<16xi32>], vector<16xf32>, vector<16xi1>
      } else {
      }
      %add3A_277 = arith.constant 2 : i32
      %add3A_278 = arith.addi %add3A_211, %add3A_277 : i32
      %lt3A_279 = arith.constant 128 : i32
      %lt3A_280 = arith.cmpi slt, %add3A_278, %lt3A_279 : i32
      %convert_element_type3A_281 = arith.extui %lt3A_280 : i1 to i32
      %cond3A_282 = arith.constant 0 : i32
      %cond3A_283 = arith.cmpi ne, %convert_element_type3A_281, %cond3A_282 : i32
      scf.if %cond3A_283 {
        %add3A_284 = arith.constant 2 : i32
        %add3A_285 = arith.addi %add3A_211, %add3A_284 : i32
        %jit3A_286 = arith.constant 8 : i32
        %div3A_287 = arith.divsi %add3A_285, %jit3A_286 : i32
        %sign3A_288 = arith.constant 0 : i32
        %sign3A_289 = arith.cmpi sgt, %add3A_285, %sign3A_288 : i32
        %sign3A_290 = arith.extui %sign3A_289 : i1 to i32
        %sign3A_291 = arith.constant 0 : i32
        %sign3A_292 = arith.cmpi slt, %add3A_285, %sign3A_291 : i32
        %sign3A_293 = arith.extui %sign3A_292 : i1 to i32
        %sign3A_294 = arith.subi %sign3A_290, %sign3A_293 : i32
        %sign3A_295 = arith.constant 0 : i32
        %sign3A_296 = arith.cmpi sgt, %jit3A_286, %sign3A_295 : i32
        %sign3A_297 = arith.extui %sign3A_296 : i1 to i32
        %sign3A_298 = arith.constant 0 : i32
        %sign3A_299 = arith.cmpi slt, %jit3A_286, %sign3A_298 : i32
        %sign3A_300 = arith.extui %sign3A_299 : i1 to i32
        %sign3A_301 = arith.subi %sign3A_297, %sign3A_300 : i32
        %ne3A_302 = arith.cmpi ne, %sign3A_294, %sign3A_301 : i32
        %rem3A_303 = arith.remsi %add3A_285, %jit3A_286 : i32
        %ne3A_304 = arith.constant 0 : i32
        %ne3A_305 = arith.cmpi ne, %rem3A_303, %ne3A_304 : i32
        %and3A_306 = arith.andi %ne3A_302, %ne3A_305 : i1
        %sub3A_307 = arith.constant 1 : i32
        %sub3A_308 = arith.subi %div3A_287, %sub3A_307 : i32
        %select_n3A_309 = arith.select %and3A_306, %sub3A_308, %div3A_287 : i32
        %jit3A_310 = arith.constant 8 : i32
        %eq3A_311 = arith.constant 0 : i32
        %eq3A_312 = arith.cmpi eq, %jit3A_310, %eq3A_311 : i32
        %jit3A_313 = arith.constant 1 : i32
        %select_n3A_314 = arith.select %eq3A_312, %jit3A_313, %jit3A_310 : i32
        %rem3A_315 = arith.remsi %add3A_285, %select_n3A_314 : i32
        %ne3A_316 = arith.constant 0 : i32
        %ne3A_317 = arith.cmpi ne, %rem3A_315, %ne3A_316 : i32
        %lt3A_318 = arith.constant 0 : i32
        %lt3A_319 = arith.cmpi slt, %rem3A_315, %lt3A_318 : i32
        %lt3A_320 = arith.constant 0 : i32
        %lt3A_321 = arith.cmpi slt, %select_n3A_314, %lt3A_320 : i32
        %ne3A_322 = arith.xori %lt3A_319, %lt3A_321 : i1
        %and3A_323 = arith.andi %ne3A_322, %ne3A_317 : i1
        %add3A_324 = arith.addi %rem3A_315, %select_n3A_314 : i32
        %select_n3A_325 = arith.select %and3A_323, %add3A_324, %rem3A_315 : i32
        %mul3A_326 = arith.constant 32 : i32
        %mul3A_327 = arith.muli %mul3A_326, %select_n3A_309 : i32
        %add3A_328 = arith.addi %add3A, %mul3A_327 : i32
        %mul3A_329 = arith.constant 8 : i32
        %mul3A_330 = arith.muli %mul3A_329, %add3A_328 : i32
        %add3A_331 = arith.addi %mul3A_330, %select_n3A_325 : i32
        %add3A_332 = arith.addi %squeeze3A, %add3A_328 : i32
        %add3A_333 = arith.constant 1 : i32
        %add3A_334 = arith.addi %add3A_333, %select_n3A_325 : i32
        %get3A_335 = arith.index_cast %add3A_334 : i32 to index
        %get3A_336 = tpu.vector_load %arg13[%get3A_335] {strides = array<i32>} : memref<32xi32, #tpu.memory_space<vmem>>, vector<16xi32>,
        %slice3A_337 = vector.extract_strided_slice %get3A_336 {offsets = [0], sizes = [1], strides = [1]} : vector<16xi32> to vector<1xi32>
        %squeeze3A_338 = vector.extract %slice3A_337[0] : i32 from vector<1xi32>
        %sub3A_339 = arith.constant 2 : i32
        %sub3A_340 = arith.subi %squeeze3A_338, %sub3A_339 : i32
        %lt3A_341 = arith.cmpi slt, %add3A_332, %sub3A_340 : i32
        %get3A_342 = arith.index_cast %add3A_331 : i32 to index
        %get3A_343 = tpu.vector_load %arg12[%get3A_342] {strides = array<i32>} : memref<4112xi32, #tpu.memory_space<vmem>>, vector<16xi32>,
        %slice3A_344 = vector.extract_strided_slice %get3A_343 {offsets = [0], sizes = [1], strides = [1]} : vector<16xi32> to vector<1xi32>
        %squeeze3A_345 = vector.extract %slice3A_344[0] : i32 from vector<1xi32>
        %jit3A_346 = arith.constant 16 : i32
        %div3A_347 = arith.divsi %squeeze3A_345, %jit3A_346 : i32
        %sign3A_348 = arith.constant 0 : i32
        %sign3A_349 = arith.cmpi sgt, %squeeze3A_345, %sign3A_348 : i32
        %sign3A_350 = arith.extui %sign3A_349 : i1 to i32
        %sign3A_351 = arith.constant 0 : i32
        %sign3A_352 = arith.cmpi slt, %squeeze3A_345, %sign3A_351 : i32
        %sign3A_353 = arith.extui %sign3A_352 : i1 to i32
        %sign3A_354 = arith.subi %sign3A_350, %sign3A_353 : i32
        %sign3A_355 = arith.constant 0 : i32
        %sign3A_356 = arith.cmpi sgt, %jit3A_346, %sign3A_355 : i32
        %sign3A_357 = arith.extui %sign3A_356 : i1 to i32
        %sign3A_358 = arith.constant 0 : i32
        %sign3A_359 = arith.cmpi slt, %jit3A_346, %sign3A_358 : i32
        %sign3A_360 = arith.extui %sign3A_359 : i1 to i32
        %sign3A_361 = arith.subi %sign3A_357, %sign3A_360 : i32
        %ne3A_362 = arith.cmpi ne, %sign3A_354, %sign3A_361 : i32
        %rem3A_363 = arith.remsi %squeeze3A_345, %jit3A_346 : i32
        %ne3A_364 = arith.constant 0 : i32
        %ne3A_365 = arith.cmpi ne, %rem3A_363, %ne3A_364 : i32
        %and3A_366 = arith.andi %ne3A_362, %ne3A_365 : i1
        %sub3A_367 = arith.constant 1 : i32
        %sub3A_368 = arith.subi %div3A_347, %sub3A_367 : i32
        %select_n3A_369 = arith.select %and3A_366, %sub3A_368, %div3A_347 : i32
        %mul3A_370 = arith.constant 16 : i32
        %mul3A_371 = arith.muli %select_n3A_369, %mul3A_370 : i32
        %mul3A_372 = arith.constant 16 : i32
        %mul3A_373 = arith.muli %add3A_285, %mul3A_372 : i32
        %dma_start3A_374 = tpu.memref_slice %arg14[%mul3A_373] : memref<2048xf32, #tpu.memory_space<vmem>> -> memref<16xf32, #tpu.memory_space<vmem>>
        %dma_start3A_375 = tpu.memref_slice %arg2[%add3A_331, %mul3A_371] : memref<4096x32000xf32, #tpu.memory_space<hbm>> -> memref<1x16xf32, #tpu.memory_space<hbm>>
        %dma_start3A_376 = tpu.memref_squeeze %dma_start3A_375 : memref<1x16xf32, #tpu.memory_space<hbm>> -> memref<16xf32, #tpu.memory_space<hbm>>
        %dma_start3A_377 = tpu.memref_slice %arg14[%mul3A_373] : memref<2048xf32, #tpu.memory_space<vmem>> -> memref<16xf32, #tpu.memory_space<vmem>>
        %dma_start3A_378 = tpu.memref_slice %arg2[%add3A_331, %mul3A_371] : memref<4096x32000xf32, #tpu.memory_space<hbm>> -> memref<1x16xf32, #tpu.memory_space<hbm>>
        %dma_start3A_379 = tpu.memref_squeeze %dma_start3A_378 : memref<1x16xf32, #tpu.memory_space<hbm>> -> memref<16xf32, #tpu.memory_space<hbm>>
        tpu.enqueue_dma source(%dma_start3A_379 : memref<16xf32, #tpu.memory_space<hbm>>) target(%dma_start3A_377 : memref<16xf32, #tpu.memory_space<vmem>>) target_semaphore(%arg22 : memref<!tpu.dma_semaphore, #tpu.memory_space<semaphore_mem>>)
        %convert_element_type3A_380 = arith.extui %lt3A_341 : i1 to i32
        %cond3A_381 = arith.constant 0 : i32
        %cond3A_382 = arith.cmpi ne, %convert_element_type3A_380, %cond3A_381 : i32
        scf.if %cond3A_382 {
          %dma_start3A_383 = arith.constant 0 : i32
          %dma_start3A_384 = tpu.memref_slice %arg2[%add3A_331, %dma_start3A_383] : memref<4096x32000xf32, #tpu.memory_space<hbm>> -> memref<1x32000xf32, #tpu.memory_space<hbm>>
          %dma_start3A_385 = tpu.memref_squeeze %dma_start3A_384 : memref<1x32000xf32, #tpu.memory_space<hbm>> -> memref<32000xf32, #tpu.memory_space<hbm>>
          %dma_start3A_386 = arith.constant 0 : i32
          %dma_start3A_387 = tpu.memref_slice %arg2[%add3A_331, %dma_start3A_386] : memref<4096x32000xf32, #tpu.memory_space<hbm>> -> memref<1x32000xf32, #tpu.memory_space<hbm>>
          %dma_start3A_388 = tpu.memref_squeeze %dma_start3A_387 : memref<1x32000xf32, #tpu.memory_space<hbm>> -> memref<32000xf32, #tpu.memory_space<hbm>>
          tpu.enqueue_dma source(%dma_start3A_388 : memref<32000xf32, #tpu.memory_space<hbm>>) target(%arg19 : memref<32000xf32, #tpu.memory_space<vmem>>) target_semaphore(%arg21 : memref<!tpu.dma_semaphore, #tpu.memory_space<semaphore_mem>>)
        } else {
        }
      } else {
      }
    }
    %scan3A_124 = arith.constant 64 : i32
    %scan3A_125 = arith.constant 0 : i32
    %scan3A_126 = arith.constant 0 : i32
    %scan3A_127 = arith.constant 128 : i32
    %scan3A_128 = arith.addi %scan3A_126, %scan3A_127 : i32
    %scan3A_129 = arith.constant 1 : i32
    scf.for %scan3A_131 = %scan3A_126 to %scan3A_128 step %scan3A_129  : i32 {
      %jit3A_132 = arith.constant 8 : i32
      %div3A_133 = arith.divsi %scan3A_131, %jit3A_132 : i32
      %sign3A_134 = arith.constant 0 : i32
      %sign3A_135 = arith.cmpi sgt, %scan3A_131, %sign3A_134 : i32
      %sign3A_136 = arith.extui %sign3A_135 : i1 to i32
      %sign3A_137 = arith.constant 0 : i32
      %sign3A_138 = arith.cmpi slt, %scan3A_131, %sign3A_137 : i32
      %sign3A_139 = arith.extui %sign3A_138 : i1 to i32
      %sign3A_140 = arith.subi %sign3A_136, %sign3A_139 : i32
      %sign3A_141 = arith.constant 0 : i32
      %sign3A_142 = arith.cmpi sgt, %jit3A_132, %sign3A_141 : i32
      %sign3A_143 = arith.extui %sign3A_142 : i1 to i32
      %sign3A_144 = arith.constant 0 : i32
      %sign3A_145 = arith.cmpi slt, %jit3A_132, %sign3A_144 : i32
      %sign3A_146 = arith.extui %sign3A_145 : i1 to i32
      %sign3A_147 = arith.subi %sign3A_143, %sign3A_146 : i32
      %ne3A_148 = arith.cmpi ne, %sign3A_140, %sign3A_147 : i32
      %rem3A_149 = arith.remsi %scan3A_131, %jit3A_132 : i32
      %ne3A_150 = arith.constant 0 : i32
      %ne3A_151 = arith.cmpi ne, %rem3A_149, %ne3A_150 : i32
      %and3A_152 = arith.andi %ne3A_148, %ne3A_151 : i1
      %sub3A_153 = arith.constant 1 : i32
      %sub3A_154 = arith.subi %div3A_133, %sub3A_153 : i32
      %select_n3A_155 = arith.select %and3A_152, %sub3A_154, %div3A_133 : i32
      %jit3A_156 = arith.constant 8 : i32
      %eq3A_157 = arith.constant 0 : i32
      %eq3A_158 = arith.cmpi eq, %jit3A_156, %eq3A_157 : i32
      %jit3A_159 = arith.constant 1 : i32
      %select_n3A_160 = arith.select %eq3A_158, %jit3A_159, %jit3A_156 : i32
      %rem3A_161 = arith.remsi %scan3A_131, %select_n3A_160 : i32
      %ne3A_162 = arith.constant 0 : i32
      %ne3A_163 = arith.cmpi ne, %rem3A_161, %ne3A_162 : i32
      %lt3A_164 = arith.constant 0 : i32
      %lt3A_165 = arith.cmpi slt, %rem3A_161, %lt3A_164 : i32
      %lt3A_166 = arith.constant 0 : i32
      %lt3A_167 = arith.cmpi slt, %select_n3A_160, %lt3A_166 : i32
      %ne3A_168 = arith.xori %lt3A_165, %lt3A_167 : i1
      %and3A_169 = arith.andi %ne3A_168, %ne3A_163 : i1
      %add3A_170 = arith.addi %rem3A_161, %select_n3A_160 : i32
      %select_n3A_171 = arith.select %and3A_169, %add3A_170, %rem3A_161 : i32
      %mul3A_172 = arith.constant 32 : i32
      %mul3A_173 = arith.muli %mul3A_172, %select_n3A_155 : i32
      %add3A_174 = arith.addi %add3A, %mul3A_173 : i32
      %mul3A_175 = arith.constant 8 : i32
      %mul3A_176 = arith.muli %mul3A_175, %add3A_174 : i32
      %add3A_177 = arith.addi %mul3A_176, %select_n3A_171 : i32
      %add3A_178 = arith.addi %squeeze3A, %add3A_174 : i32
      %add3A_179 = arith.constant 1 : i32
      %add3A_180 = arith.addi %add3A_179, %select_n3A_171 : i32
      %get3A_181 = arith.index_cast %add3A_180 : i32 to index
      %get3A_182 = tpu.vector_load %arg13[%get3A_181] {strides = array<i32>} : memref<32xi32, #tpu.memory_space<vmem>>, vector<16xi32>,
      %slice3A_183 = vector.extract_strided_slice %get3A_182 {offsets = [0], sizes = [1], strides = [1]} : vector<16xi32> to vector<1xi32>
      %squeeze3A_184 = vector.extract %slice3A_183[0] : i32 from vector<1xi32>
      %sub3A_185 = arith.constant 2 : i32
      %sub3A_186 = arith.subi %squeeze3A_184, %sub3A_185 : i32
      %lt3A_187 = arith.cmpi slt, %add3A_178, %sub3A_186 : i32
      %get3A_188 = arith.index_cast %add3A_177 : i32 to index
      %get3A_189 = tpu.vector_load %arg12[%get3A_188] {strides = array<i32>} : memref<4112xi32, #tpu.memory_space<vmem>>, vector<16xi32>,
      %slice3A_190 = vector.extract_strided_slice %get3A_189 {offsets = [0], sizes = [1], strides = [1]} : vector<16xi32> to vector<1xi32>
      %squeeze3A_191 = vector.extract %slice3A_190[0] : i32 from vector<1xi32>
      %jit3A_192 = arith.constant 16 : i32
      %div3A_193 = arith.divsi %squeeze3A_191, %jit3A_192 : i32
      %sign3A_194 = arith.constant 0 : i32
      %sign3A_195 = arith.cmpi sgt, %squeeze3A_191, %sign3A_194 : i32
      %sign3A_196 = arith.extui %sign3A_195 : i1 to i32
      %sign3A_197 = arith.constant 0 : i32
      %sign3A_198 = arith.cmpi slt, %squeeze3A_191, %sign3A_197 : i32
      %sign3A_199 = arith.extui %sign3A_198 : i1 to i32
      %sign3A_200 = arith.subi %sign3A_196, %sign3A_199 : i32
      %sign3A_201 = arith.constant 0 : i32
      %sign3A_202 = arith.cmpi sgt, %jit3A_192, %sign3A_201 : i32
      %sign3A_203 = arith.extui %sign3A_202 : i1 to i32
      %sign3A_204 = arith.constant 0 : i32
      %sign3A_205 = arith.cmpi slt, %jit3A_192, %sign3A_204 : i32
      %sign3A_206 = arith.extui %sign3A_205 : i1 to i32
      %sign3A_207 = arith.subi %sign3A_203, %sign3A_206 : i32
      %ne3A_208 = arith.cmpi ne, %sign3A_200, %sign3A_207 : i32
      %rem3A_209 = arith.remsi %squeeze3A_191, %jit3A_192 : i32
      %ne3A_210 = arith.constant 0 : i32
      %ne3A_211 = arith.cmpi ne, %rem3A_209, %ne3A_210 : i32
      %and3A_212 = arith.andi %ne3A_208, %ne3A_211 : i1
      %sub3A_213 = arith.constant 1 : i32
      %sub3A_214 = arith.subi %div3A_193, %sub3A_213 : i32
      %select_n3A_215 = arith.select %and3A_212, %sub3A_214, %div3A_193 : i32
      %mul3A_216 = arith.constant 16 : i32
      %mul3A_217 = arith.muli %select_n3A_215, %mul3A_216 : i32
      %mul3A_218 = arith.constant 16 : i32
      %mul3A_219 = arith.muli %scan3A_131, %mul3A_218 : i32
      %dma_wait3A = tpu.memref_slice %arg14[%mul3A_219] : memref<2048xf32, #tpu.memory_space<vmem>> -> memref<16xf32, #tpu.memory_space<vmem>>
      %dma_wait3A_220 = tpu.memref_slice %arg2[%add3A_177, %mul3A_217] : memref<4096x32000xf32, #tpu.memory_space<hbm>> -> memref<1x16xf32, #tpu.memory_space<hbm>>
      %dma_wait3A_221 = tpu.memref_squeeze %dma_wait3A_220 : memref<1x16xf32, #tpu.memory_space<hbm>> -> memref<16xf32, #tpu.memory_space<hbm>>
      %dma_wait3A_222 = tpu.memref_slice %arg14[%mul3A_219] : memref<2048xf32, #tpu.memory_space<vmem>> -> memref<16xf32, #tpu.memory_space<vmem>>
      %dma_wait3A_223 = tpu.memref_slice %arg2[%add3A_177, %mul3A_217] : memref<4096x32000xf32, #tpu.memory_space<hbm>> -> memref<1x16xf32, #tpu.memory_space<hbm>>
      %dma_wait3A_224 = tpu.memref_squeeze %dma_wait3A_223 : memref<1x16xf32, #tpu.memory_space<hbm>> -> memref<16xf32, #tpu.memory_space<hbm>>
      tpu.wait_dma2 semaphore(%arg22 : memref<!tpu.dma_semaphore, #tpu.memory_space<semaphore_mem>>) src(%dma_wait3A_224 : memref<16xf32, #tpu.memory_space<hbm>>) dst(%dma_wait3A_222 : memref<16xf32, #tpu.memory_space<vmem>>)
      %mul3A_225 = arith.constant 16 : i32
      %mul3A_226 = arith.muli %scan3A_131, %mul3A_225 : i32
      %get3A_227 = arith.index_cast %mul3A_226 : i32 to index
      %get3A_228 = tpu.vector_load %arg14[%get3A_227] {strides = array<i32>} : memref<2048xf32, #tpu.memory_space<vmem>>, vector<16xf32>,
      %sub3A_229 = arith.subi %squeeze3A_191, %mul3A_217 : i32
      %eq3A_230 = vector.broadcast %sub3A_229 : i32 to vector<16xi32>
      %eq3A_231 = arith.cmpi eq, %iota3A, %eq3A_230 : vector<16xi32>
      %jit3A_232 = arith.constant 0.000000e+00 : f32
      %broadcast_in_dim3A = vector.broadcast %jit3A_232 : f32 to vector<16xf32>
      %select_n3A_233 = arith.select %eq3A_231, %get3A_228, %broadcast_in_dim3A : vector<16xi1>, vector<16xf32>
      %reduce_sum3A = arith.constant true
      %reduce_sum3A_234 = vector.broadcast %reduce_sum3A : i1 to vector<16xi1>
      %reduce_sum3A_235 = tpu.scan <sum>, %select_n3A_233 masked %reduce_sum3A_234 : vector<16xf32>, vector<16xi1> -> vector<16xf32>
      %reduce_sum3A_236 = vector.extract %reduce_sum3A_235[15] : f32 from vector<16xf32>
      %broadcast_in_dim3A_237 = vector.broadcast %scan3A_131 : i32 to vector<16xi32>
      %broadcast_in_dim3A_238 = vector.broadcast %reduce_sum3A_236 : f32 to vector<16xf32>
      tpu.vector_store_idx %arg17[%broadcast_in_dim3A_237], %broadcast_in_dim3A_238 masked %eq3A_3 : memref<128xf32, #tpu.memory_space<vmem>>[vector<16xi32>], vector<16xf32>, vector<16xi1>
    }
    %scan3A_130 = arith.constant 128 : i32
    "tpu.region"() ({
      %run_scoped3A = tpu.sem_alloc : memref<!tpu.dma_semaphore, #tpu.memory_space<semaphore_mem>>
      %dma_start3A_131 = arith.constant 0 : i32
      %dma_start3A_132 = tpu.memref_slice %arg6[%add3A, %dma_start3A_131] : memref<32x128xf32, #tpu.memory_space<hbm>> -> memref<1x128xf32, #tpu.memory_space<hbm>>
      %dma_start3A_133 = tpu.memref_squeeze %dma_start3A_132 : memref<1x128xf32, #tpu.memory_space<hbm>> -> memref<128xf32, #tpu.memory_space<hbm>>
      %dma_start3A_134 = arith.constant 0 : i32
      %dma_start3A_135 = tpu.memref_slice %arg6[%add3A, %dma_start3A_134] : memref<32x128xf32, #tpu.memory_space<hbm>> -> memref<1x128xf32, #tpu.memory_space<hbm>>
      %dma_start3A_136 = tpu.memref_squeeze %dma_start3A_135 : memref<1x128xf32, #tpu.memory_space<hbm>> -> memref<128xf32, #tpu.memory_space<hbm>>
      tpu.enqueue_dma source(%arg15 : memref<128xf32, #tpu.memory_space<vmem>>) target(%dma_start3A_136 : memref<128xf32, #tpu.memory_space<hbm>>) target_semaphore(%run_scoped3A : memref<!tpu.dma_semaphore, #tpu.memory_space<semaphore_mem>>)
      %dma_wait3A = arith.constant 0 : i32
      %dma_wait3A_137 = tpu.memref_slice %arg6[%add3A, %dma_wait3A] : memref<32x128xf32, #tpu.memory_space<hbm>> -> memref<1x128xf32, #tpu.memory_space<hbm>>
      %dma_wait3A_138 = tpu.memref_squeeze %dma_wait3A_137 : memref<1x128xf32, #tpu.memory_space<hbm>> -> memref<128xf32, #tpu.memory_space<hbm>>
      %dma_wait3A_139 = arith.constant 0 : i32
      %dma_wait3A_140 = tpu.memref_slice %arg6[%add3A, %dma_wait3A_139] : memref<32x128xf32, #tpu.memory_space<hbm>> -> memref<1x128xf32, #tpu.memory_space<hbm>>
      %dma_wait3A_141 = tpu.memref_squeeze %dma_wait3A_140 : memref<1x128xf32, #tpu.memory_space<hbm>> -> memref<128xf32, #tpu.memory_space<hbm>>
      tpu.wait_dma2 semaphore(%run_scoped3A : memref<!tpu.dma_semaphore, #tpu.memory_space<semaphore_mem>>) src(%arg15 : memref<128xf32, #tpu.memory_space<vmem>>) dst(%dma_wait3A_141 : memref<128xf32, #tpu.memory_space<hbm>>)
      tpu.yield
    }) : () -> ()
    "tpu.region"() ({
      %run_scoped3A = tpu.sem_alloc : memref<!tpu.dma_semaphore, #tpu.memory_space<semaphore_mem>>
      %dma_start3A_131 = arith.constant 0 : i32
      %dma_start3A_132 = tpu.memref_slice %arg7[%add3A, %dma_start3A_131] : memref<32x128xf32, #tpu.memory_space<hbm>> -> memref<1x128xf32, #tpu.memory_space<hbm>>
      %dma_start3A_133 = tpu.memref_squeeze %dma_start3A_132 : memref<1x128xf32, #tpu.memory_space<hbm>> -> memref<128xf32, #tpu.memory_space<hbm>>
      %dma_start3A_134 = arith.constant 0 : i32
      %dma_start3A_135 = tpu.memref_slice %arg7[%add3A, %dma_start3A_134] : memref<32x128xf32, #tpu.memory_space<hbm>> -> memref<1x128xf32, #tpu.memory_space<hbm>>
      %dma_start3A_136 = tpu.memref_squeeze %dma_start3A_135 : memref<1x128xf32, #tpu.memory_space<hbm>> -> memref<128xf32, #tpu.memory_space<hbm>>
      tpu.enqueue_dma source(%arg16 : memref<128xf32, #tpu.memory_space<vmem>>) target(%dma_start3A_136 : memref<128xf32, #tpu.memory_space<hbm>>) target_semaphore(%run_scoped3A : memref<!tpu.dma_semaphore, #tpu.memory_space<semaphore_mem>>)
      %dma_wait3A = arith.constant 0 : i32
      %dma_wait3A_137 = tpu.memref_slice %arg7[%add3A, %dma_wait3A] : memref<32x128xf32, #tpu.memory_space<hbm>> -> memref<1x128xf32, #tpu.memory_space<hbm>>
      %dma_wait3A_138 = tpu.memref_squeeze %dma_wait3A_137 : memref<1x128xf32, #tpu.memory_space<hbm>> -> memref<128xf32, #tpu.memory_space<hbm>>
      %dma_wait3A_139 = arith.constant 0 : i32
      %dma_wait3A_140 = tpu.memref_slice %arg7[%add3A, %dma_wait3A_139] : memref<32x128xf32, #tpu.memory_space<hbm>> -> memref<1x128xf32, #tpu.memory_space<hbm>>
      %dma_wait3A_141 = tpu.memref_squeeze %dma_wait3A_140 : memref<1x128xf32, #tpu.memory_space<hbm>> -> memref<128xf32, #tpu.memory_space<hbm>>
      tpu.wait_dma2 semaphore(%run_scoped3A : memref<!tpu.dma_semaphore, #tpu.memory_space<semaphore_mem>>) src(%arg16 : memref<128xf32, #tpu.memory_space<vmem>>) dst(%dma_wait3A_141 : memref<128xf32, #tpu.memory_space<hbm>>)
      tpu.yield
    }) : () -> ()
    "tpu.region"() ({
      %run_scoped3A = tpu.sem_alloc : memref<!tpu.dma_semaphore, #tpu.memory_space<semaphore_mem>>
      %dma_start3A_131 = arith.constant 0 : i32
      %dma_start3A_132 = tpu.memref_slice %arg8[%add3A, %dma_start3A_131] : memref<32x128xf32, #tpu.memory_space<hbm>> -> memref<1x128xf32, #tpu.memory_space<hbm>>
      %dma_start3A_133 = tpu.memref_squeeze %dma_start3A_132 : memref<1x128xf32, #tpu.memory_space<hbm>> -> memref<128xf32, #tpu.memory_space<hbm>>
      %dma_start3A_134 = arith.constant 0 : i32
      %dma_start3A_135 = tpu.memref_slice %arg8[%add3A, %dma_start3A_134] : memref<32x128xf32, #tpu.memory_space<hbm>> -> memref<1x128xf32, #tpu.memory_space<hbm>>
      %dma_start3A_136 = tpu.memref_squeeze %dma_start3A_135 : memref<1x128xf32, #tpu.memory_space<hbm>> -> memref<128xf32, #tpu.memory_space<hbm>>
      tpu.enqueue_dma source(%arg17 : memref<128xf32, #tpu.memory_space<vmem>>) target(%dma_start3A_136 : memref<128xf32, #tpu.memory_space<hbm>>) target_semaphore(%run_scoped3A : memref<!tpu.dma_semaphore, #tpu.memory_space<semaphore_mem>>)
      %dma_wait3A = arith.constant 0 : i32
      %dma_wait3A_137 = tpu.memref_slice %arg8[%add3A, %dma_wait3A] : memref<32x128xf32, #tpu.memory_space<hbm>> -> memref<1x128xf32, #tpu.memory_space<hbm>>
      %dma_wait3A_138 = tpu.memref_squeeze %dma_wait3A_137 : memref<1x128xf32, #tpu.memory_space<hbm>> -> memref<128xf32, #tpu.memory_space<hbm>>
      %dma_wait3A_139 = arith.constant 0 : i32
      %dma_wait3A_140 = tpu.memref_slice %arg8[%add3A, %dma_wait3A_139] : memref<32x128xf32, #tpu.memory_space<hbm>> -> memref<1x128xf32, #tpu.memory_space<hbm>>
      %dma_wait3A_141 = tpu.memref_squeeze %dma_wait3A_140 : memref<1x128xf32, #tpu.memory_space<hbm>> -> memref<128xf32, #tpu.memory_space<hbm>>
      tpu.wait_dma2 semaphore(%run_scoped3A : memref<!tpu.dma_semaphore, #tpu.memory_space<semaphore_mem>>) src(%arg17 : memref<128xf32, #tpu.memory_space<vmem>>) dst(%dma_wait3A_141 : memref<128xf32, #tpu.memory_space<hbm>>)
      tpu.yield
    }) : () -> ()
    return
  }
}

module attributes {stable_mosaic.version = 14 : i64} {
  func.func @body(%arg0: i32, %arg1: memref<128x32000xf32, #tpu.memory_space<vmem>>, %arg2: memref<1x128x1xf32, #tpu.memory_space<vmem>>) attributes {dimension_semantics = [#tpu.dimension_semantics<arbitrary>], iteration_bounds = array<i64: 32>, scalar_prefetch = 0 : i64, scratch_operands = 0 : i64, tpu.core_type = #tpu.core_type<tc>, window_params = [{transform_indices = @transform_0, window_bounds = array<i64: 128, 32000>}, {transform_indices = @transform_1, window_bounds = array<i64: 1, 128, 1>}]} {
    %get3A = arith.constant 0 : index
    %get3A_0 = arith.constant 0 : index
    %get3A_1 = vector.load %arg1[%get3A, %get3A_0] : memref<128x32000xf32, #tpu.memory_space<vmem>>, vector<128x32000xf32>
    %reduce_max3A = arith.constant dense<0xFF800000> : vector<128xf32>
    %reduce_max3A_2 = vector.multi_reduction <maximumf>, %get3A_1, %reduce_max3A [1] : vector<128x32000xf32> to vector<128xf32>
    %broadcast_in_dim3A = vector.shape_cast %reduce_max3A_2 : vector<128xf32> to vector<128x1xf32>
    %sub3A = vector.broadcast %broadcast_in_dim3A : vector<128x1xf32> to vector<128x32000xf32>
    %sub3A_3 = arith.subf %get3A_1, %sub3A : vector<128x32000xf32>
    %exp3A = math.exp %sub3A_3 : vector<128x32000xf32>
    %reduce_sum3A = arith.constant dense<0.000000e+00> : vector<128xf32>
    %reduce_sum3A_4 = vector.multi_reduction <add>, %exp3A, %reduce_sum3A [1] : vector<128x32000xf32> to vector<128xf32>
    %broadcast_in_dim3A_5 = vector.shape_cast %reduce_sum3A_4 : vector<128xf32> to vector<128x1xf32>
    %log3A = math.log %broadcast_in_dim3A_5 : vector<128x1xf32>
    %add3A = arith.addf %broadcast_in_dim3A, %log3A : vector<128x1xf32>
    %swap3A = arith.constant 0 : index
    %swap3A_6 = arith.constant 0 : index
    %swap3A_7 = arith.constant 0 : index
    %swap3A_8 = vector.load %arg2[%swap3A, %swap3A_6, %swap3A_7] : memref<1x128x1xf32, #tpu.memory_space<vmem>>, vector<1x128x1xf32>
    %swap3A_9 = vector.shape_cast %swap3A_8 : vector<1x128x1xf32> to vector<128x1xf32>
    %swap3A_10 = vector.shape_cast %add3A : vector<128x1xf32> to vector<1x128x1xf32>
    tpu.vector_store %arg2[%swap3A, %swap3A_6, %swap3A_7], %swap3A_10 {strides = array<i32>} : memref<1x128x1xf32, #tpu.memory_space<vmem>>, vector<1x128x1xf32>,
    return
  }
  func.func @transform_0(%arg0: i32) -> (i32, i32) {
    %c0_i32 = arith.constant 0 : i32
    %c0_i32_0 = arith.constant 0 : i32
    return %arg0, %c0_i32 : i32, i32
  }
  func.func @transform_1(%arg0: i32) -> (i32, i32, i32) {
    %c0_i32 = arith.constant 0 : i32
    %c0_i32_0 = arith.constant 0 : i32
    %c0_i32_1 = arith.constant 0 : i32
    return %arg0, %c0_i32, %c0_i32_0 : i32, i32, i32
  }
}

module attributes {stable_mosaic.version = 14 : i64} {
  func.func @body(%arg0: memref<1x1xi32, #tpu.memory_space<smem>>, %arg1: memref<1x8xi32, #tpu.memory_space<smem>>, %arg2: memref<16x256xf32, #tpu.memory_space<vmem>>, %arg3: memref<16x256xf32, #tpu.memory_space<vmem>>, %arg4: memref<16x256xf32, #tpu.memory_space<vmem>>, %arg5: memref<16x256xf32, #tpu.memory_space<vmem>>, %arg6: memref<16x256xi32, #tpu.memory_space<vmem>>, %arg7: memref<1x1xf32, #tpu.memory_space<smem>>) attributes {dimension_semantics = [], scalar_prefetch = 0 : i64, scratch_operands = 0 : i64, tpu.core_type = #tpu.core_type<tc>} {
    %iota3A = tpu.iota {dimensions = array<i32: 0>} : vector<16x256xi32>
    %iota3A_0 = tpu.iota {dimensions = array<i32: 1>} : vector<16x256xi32>
    %mul3A = arith.constant 256 : i32
    %mul3A_1 = vector.broadcast %mul3A : i32 to vector<16x256xi32>
    %mul3A_2 = arith.muli %iota3A, %mul3A_1 : vector<16x256xi32>
    %add3A = arith.addi %mul3A_2, %iota3A_0 : vector<16x256xi32>
    %jit3A = arith.constant 8 : i32
    %eq3A = arith.constant 0 : i32
    %eq3A_3 = arith.cmpi eq, %jit3A, %eq3A : i32
    %jit3A_4 = arith.constant 1 : i32
    %select_n3A = arith.select %eq3A_3, %jit3A_4, %jit3A : i32
    %rem3A = vector.broadcast %select_n3A : i32 to vector<16x256xi32>
    %rem3A_5 = arith.remsi %add3A, %rem3A : vector<16x256xi32>
    %ne3A = arith.constant 0 : i32
    %ne3A_6 = vector.broadcast %ne3A : i32 to vector<16x256xi32>
    %ne3A_7 = arith.cmpi ne, %rem3A_5, %ne3A_6 : vector<16x256xi32>
    %lt3A = arith.constant 0 : i32
    %lt3A_8 = vector.broadcast %lt3A : i32 to vector<16x256xi32>
    %lt3A_9 = arith.cmpi slt, %rem3A_5, %lt3A_8 : vector<16x256xi32>
    %lt3A_10 = arith.constant 0 : i32
    %lt3A_11 = arith.cmpi slt, %select_n3A, %lt3A_10 : i32
    %ne3A_12 = vector.broadcast %lt3A_11 : i1 to vector<16x256xi1>
    %ne3A_13 = vector.broadcast %ne3A_12 : vector<16x256xi1> to vector<16x256xi1>
    %ne3A_14 = arith.xori %lt3A_9, %ne3A_13 : vector<16x256xi1>
    %and3A = arith.andi %ne3A_14, %ne3A_7 : vector<16x256xi1>
    %add3A_15 = vector.broadcast %select_n3A : i32 to vector<16x256xi32>
    %add3A_16 = arith.addi %rem3A_5, %add3A_15 : vector<16x256xi32>
    %select_n3A_17 = arith.select %and3A, %add3A_16, %rem3A_5 : vector<16x256xi1>, vector<16x256xi32>
    %jit3A_18 = arith.constant 8 : i32
    %div3A = vector.broadcast %jit3A_18 : i32 to vector<16x256xi32>
    %div3A_19 = arith.divsi %add3A, %div3A : vector<16x256xi32>
    %sign3A = arith.constant 0 : i32
    %sign3A_20 = vector.broadcast %sign3A : i32 to vector<16x256xi32>
    %sign3A_21 = arith.cmpi sgt, %add3A, %sign3A_20 : vector<16x256xi32>
    %sign3A_22 = arith.extui %sign3A_21 : vector<16x256xi1> to vector<16x256xi32>
    %sign3A_23 = arith.constant 0 : i32
    %sign3A_24 = vector.broadcast %sign3A_23 : i32 to vector<16x256xi32>
    %sign3A_25 = arith.cmpi slt, %add3A, %sign3A_24 : vector<16x256xi32>
    %sign3A_26 = arith.extui %sign3A_25 : vector<16x256xi1> to vector<16x256xi32>
    %sign3A_27 = arith.subi %sign3A_22, %sign3A_26 : vector<16x256xi32>
    %sign3A_28 = arith.constant 0 : i32
    %sign3A_29 = arith.cmpi sgt, %jit3A_18, %sign3A_28 : i32
    %sign3A_30 = arith.extui %sign3A_29 : i1 to i32
    %sign3A_31 = arith.constant 0 : i32
    %sign3A_32 = arith.cmpi slt, %jit3A_18, %sign3A_31 : i32
    %sign3A_33 = arith.extui %sign3A_32 : i1 to i32
    %sign3A_34 = arith.subi %sign3A_30, %sign3A_33 : i32
    %ne3A_35 = vector.broadcast %sign3A_34 : i32 to vector<16x256xi32>
    %ne3A_36 = arith.cmpi ne, %sign3A_27, %ne3A_35 : vector<16x256xi32>
    %rem3A_37 = vector.broadcast %jit3A_18 : i32 to vector<16x256xi32>
    %rem3A_38 = arith.remsi %add3A, %rem3A_37 : vector<16x256xi32>
    %ne3A_39 = arith.constant 0 : i32
    %ne3A_40 = vector.broadcast %ne3A_39 : i32 to vector<16x256xi32>
    %ne3A_41 = arith.cmpi ne, %rem3A_38, %ne3A_40 : vector<16x256xi32>
    %and3A_42 = arith.andi %ne3A_36, %ne3A_41 : vector<16x256xi1>
    %sub3A = arith.constant 1 : i32
    %sub3A_43 = vector.broadcast %sub3A : i32 to vector<16x256xi32>
    %sub3A_44 = arith.subi %div3A_19, %sub3A_43 : vector<16x256xi32>
    %select_n3A_45 = arith.select %and3A_42, %sub3A_44, %div3A_19 : vector<16x256xi1>, vector<16x256xi32>
    %get3A = arith.constant 0 : index
    %get3A_46 = arith.constant 0 : index
    %get3A_47 = memref.load %arg0[%get3A, %get3A_46] : memref<1x1xi32, #tpu.memory_space<smem>>
    %add3A_48 = vector.broadcast %get3A_47 : i32 to vector<16x256xi32>
    %add3A_49 = arith.addi %add3A_48, %select_n3A_45 : vector<16x256xi32>
    %broadcast_in_dim3A = arith.constant 0 : i32
    %broadcast_in_dim3A_50 = vector.broadcast %broadcast_in_dim3A : i32 to vector<16x256xi32>
    %eq3A_51 = arith.constant 0 : i32
    %eq3A_52 = vector.broadcast %eq3A_51 : i32 to vector<16x256xi32>
    %eq3A_53 = arith.cmpi eq, %select_n3A_17, %eq3A_52 : vector<16x256xi32>
    %get3A_54 = arith.constant 0 : index
    %get3A_55 = arith.constant 0 : index
    %get3A_56 = memref.load %arg1[%get3A_54, %get3A_55] : memref<1x8xi32, #tpu.memory_space<smem>>
    %jit3A_57 = arith.constant 0 : i32
    %broadcast_in_dim3A_58 = vector.broadcast %get3A_56 : i32 to vector<16x256xi32>
    %broadcast_in_dim3A_59 = vector.broadcast %jit3A_57 : i32 to vector<16x256xi32>
    %select_n3A_60 = arith.select %eq3A_53, %broadcast_in_dim3A_58, %broadcast_in_dim3A_59 : vector<16x256xi1>, vector<16x256xi32>
    %add3A_61 = arith.addi %broadcast_in_dim3A_50, %select_n3A_60 : vector<16x256xi32>
    %eq3A_62 = arith.constant 1 : i32
    %eq3A_63 = vector.broadcast %eq3A_62 : i32 to vector<16x256xi32>
    %eq3A_64 = arith.cmpi eq, %select_n3A_17, %eq3A_63 : vector<16x256xi32>
    %get3A_65 = arith.constant 0 : index
    %get3A_66 = arith.constant 1 : index
    %get3A_67 = memref.load %arg1[%get3A_65, %get3A_66] : memref<1x8xi32, #tpu.memory_space<smem>>
    %jit3A_68 = arith.constant 0 : i32
    %broadcast_in_dim3A_69 = vector.broadcast %get3A_67 : i32 to vector<16x256xi32>
    %broadcast_in_dim3A_70 = vector.broadcast %jit3A_68 : i32 to vector<16x256xi32>
    %select_n3A_71 = arith.select %eq3A_64, %broadcast_in_dim3A_69, %broadcast_in_dim3A_70 : vector<16x256xi1>, vector<16x256xi32>
    %add3A_72 = arith.addi %add3A_61, %select_n3A_71 : vector<16x256xi32>
    %eq3A_73 = arith.constant 2 : i32
    %eq3A_74 = vector.broadcast %eq3A_73 : i32 to vector<16x256xi32>
    %eq3A_75 = arith.cmpi eq, %select_n3A_17, %eq3A_74 : vector<16x256xi32>
    %get3A_76 = arith.constant 0 : index
    %get3A_77 = arith.constant 2 : index
    %get3A_78 = memref.load %arg1[%get3A_76, %get3A_77] : memref<1x8xi32, #tpu.memory_space<smem>>
    %jit3A_79 = arith.constant 0 : i32
    %broadcast_in_dim3A_80 = vector.broadcast %get3A_78 : i32 to vector<16x256xi32>
    %broadcast_in_dim3A_81 = vector.broadcast %jit3A_79 : i32 to vector<16x256xi32>
    %select_n3A_82 = arith.select %eq3A_75, %broadcast_in_dim3A_80, %broadcast_in_dim3A_81 : vector<16x256xi1>, vector<16x256xi32>
    %add3A_83 = arith.addi %add3A_72, %select_n3A_82 : vector<16x256xi32>
    %eq3A_84 = arith.constant 3 : i32
    %eq3A_85 = vector.broadcast %eq3A_84 : i32 to vector<16x256xi32>
    %eq3A_86 = arith.cmpi eq, %select_n3A_17, %eq3A_85 : vector<16x256xi32>
    %get3A_87 = arith.constant 0 : index
    %get3A_88 = arith.constant 3 : index
    %get3A_89 = memref.load %arg1[%get3A_87, %get3A_88] : memref<1x8xi32, #tpu.memory_space<smem>>
    %jit3A_90 = arith.constant 0 : i32
    %broadcast_in_dim3A_91 = vector.broadcast %get3A_89 : i32 to vector<16x256xi32>
    %broadcast_in_dim3A_92 = vector.broadcast %jit3A_90 : i32 to vector<16x256xi32>
    %select_n3A_93 = arith.select %eq3A_86, %broadcast_in_dim3A_91, %broadcast_in_dim3A_92 : vector<16x256xi1>, vector<16x256xi32>
    %add3A_94 = arith.addi %add3A_83, %select_n3A_93 : vector<16x256xi32>
    %eq3A_95 = arith.constant 4 : i32
    %eq3A_96 = vector.broadcast %eq3A_95 : i32 to vector<16x256xi32>
    %eq3A_97 = arith.cmpi eq, %select_n3A_17, %eq3A_96 : vector<16x256xi32>
    %get3A_98 = arith.constant 0 : index
    %get3A_99 = arith.constant 4 : index
    %get3A_100 = memref.load %arg1[%get3A_98, %get3A_99] : memref<1x8xi32, #tpu.memory_space<smem>>
    %jit3A_101 = arith.constant 0 : i32
    %broadcast_in_dim3A_102 = vector.broadcast %get3A_100 : i32 to vector<16x256xi32>
    %broadcast_in_dim3A_103 = vector.broadcast %jit3A_101 : i32 to vector<16x256xi32>
    %select_n3A_104 = arith.select %eq3A_97, %broadcast_in_dim3A_102, %broadcast_in_dim3A_103 : vector<16x256xi1>, vector<16x256xi32>
    %add3A_105 = arith.addi %add3A_94, %select_n3A_104 : vector<16x256xi32>
    %eq3A_106 = arith.constant 5 : i32
    %eq3A_107 = vector.broadcast %eq3A_106 : i32 to vector<16x256xi32>
    %eq3A_108 = arith.cmpi eq, %select_n3A_17, %eq3A_107 : vector<16x256xi32>
    %get3A_109 = arith.constant 0 : index
    %get3A_110 = arith.constant 5 : index
    %get3A_111 = memref.load %arg1[%get3A_109, %get3A_110] : memref<1x8xi32, #tpu.memory_space<smem>>
    %jit3A_112 = arith.constant 0 : i32
    %broadcast_in_dim3A_113 = vector.broadcast %get3A_111 : i32 to vector<16x256xi32>
    %broadcast_in_dim3A_114 = vector.broadcast %jit3A_112 : i32 to vector<16x256xi32>
    %select_n3A_115 = arith.select %eq3A_108, %broadcast_in_dim3A_113, %broadcast_in_dim3A_114 : vector<16x256xi1>, vector<16x256xi32>
    %add3A_116 = arith.addi %add3A_105, %select_n3A_115 : vector<16x256xi32>
    %eq3A_117 = arith.constant 6 : i32
    %eq3A_118 = vector.broadcast %eq3A_117 : i32 to vector<16x256xi32>
    %eq3A_119 = arith.cmpi eq, %select_n3A_17, %eq3A_118 : vector<16x256xi32>
    %get3A_120 = arith.constant 0 : index
    %get3A_121 = arith.constant 6 : index
    %get3A_122 = memref.load %arg1[%get3A_120, %get3A_121] : memref<1x8xi32, #tpu.memory_space<smem>>
    %jit3A_123 = arith.constant 0 : i32
    %broadcast_in_dim3A_124 = vector.broadcast %get3A_122 : i32 to vector<16x256xi32>
    %broadcast_in_dim3A_125 = vector.broadcast %jit3A_123 : i32 to vector<16x256xi32>
    %select_n3A_126 = arith.select %eq3A_119, %broadcast_in_dim3A_124, %broadcast_in_dim3A_125 : vector<16x256xi1>, vector<16x256xi32>
    %add3A_127 = arith.addi %add3A_116, %select_n3A_126 : vector<16x256xi32>
    %eq3A_128 = arith.constant 7 : i32
    %eq3A_129 = vector.broadcast %eq3A_128 : i32 to vector<16x256xi32>
    %eq3A_130 = arith.cmpi eq, %select_n3A_17, %eq3A_129 : vector<16x256xi32>
    %get3A_131 = arith.constant 0 : index
    %get3A_132 = arith.constant 7 : index
    %get3A_133 = memref.load %arg1[%get3A_131, %get3A_132] : memref<1x8xi32, #tpu.memory_space<smem>>
    %jit3A_134 = arith.constant 0 : i32
    %broadcast_in_dim3A_135 = vector.broadcast %get3A_133 : i32 to vector<16x256xi32>
    %broadcast_in_dim3A_136 = vector.broadcast %jit3A_134 : i32 to vector<16x256xi32>
    %select_n3A_137 = arith.select %eq3A_130, %broadcast_in_dim3A_135, %broadcast_in_dim3A_136 : vector<16x256xi1>, vector<16x256xi32>
    %add3A_138 = arith.addi %add3A_127, %select_n3A_137 : vector<16x256xi32>
    %sub3A_139 = arith.constant 2 : i32
    %sub3A_140 = vector.broadcast %sub3A_139 : i32 to vector<16x256xi32>
    %sub3A_141 = arith.subi %add3A_138, %sub3A_140 : vector<16x256xi32>
    %lt3A_142 = arith.cmpi slt, %add3A_49, %sub3A_141 : vector<16x256xi32>
    %get3A_143 = arith.constant 0 : index
    %get3A_144 = arith.constant 0 : index
    %get3A_145 = vector.load %arg6[%get3A_143, %get3A_144] : memref<16x256xi32, #tpu.memory_space<vmem>>, vector<16x256xi32>
    %get3A_146 = arith.constant 0 : index
    %get3A_147 = arith.constant 0 : index
    %get3A_148 = vector.load %arg2[%get3A_146, %get3A_147] : memref<16x256xf32, #tpu.memory_space<vmem>>, vector<16x256xf32>
    %ne3A_149 = arith.constant 0 : i32
    %ne3A_150 = vector.broadcast %ne3A_149 : i32 to vector<16x256xi32>
    %ne3A_151 = arith.cmpi ne, %get3A_145, %ne3A_150 : vector<16x256xi32>
    %jit3A_152 = arith.constant 0.899999976 : f32
    %jit3A_153 = arith.constant 0.000000e+00 : f32
    %broadcast_in_dim3A_154 = vector.broadcast %jit3A_152 : f32 to vector<16x256xf32>
    %broadcast_in_dim3A_155 = vector.broadcast %jit3A_153 : f32 to vector<16x256xf32>
    %select_n3A_156 = arith.select %ne3A_151, %broadcast_in_dim3A_154, %broadcast_in_dim3A_155 : vector<16x256xi1>, vector<16x256xf32>
    %convert_element_type3A = arith.sitofp %add3A_138 : vector<16x256xi32> to vector<16x256xf32>
    %convert_element_type3A_157 = arith.sitofp %add3A_49 : vector<16x256xi32> to vector<16x256xf32>
    %sub3A_158 = arith.subf %convert_element_type3A, %convert_element_type3A_157 : vector<16x256xf32>
    %sub3A_159 = arith.constant 2.000000e+00 : f32
    %sub3A_160 = vector.broadcast %sub3A_159 : f32 to vector<16x256xf32>
    %sub3A_161 = arith.subf %sub3A_158, %sub3A_160 : vector<16x256xf32>
    %jit3A_162 = arith.constant 1.000000e+00 : f32
    %broadcast_in_dim3A_163 = vector.broadcast %jit3A_162 : f32 to vector<16x256xf32>
    %select_n3A_164 = arith.select %lt3A_142, %sub3A_161, %broadcast_in_dim3A_163 : vector<16x256xi1>, vector<16x256xf32>
    %ne3A_165 = arith.constant 0 : i32
    %ne3A_166 = vector.broadcast %ne3A_165 : i32 to vector<16x256xi32>
    %ne3A_167 = arith.cmpi ne, %get3A_145, %ne3A_166 : vector<16x256xi32>
    %and3A_168 = arith.andi %lt3A_142, %ne3A_167 : vector<16x256xi1>
    %div3A_169 = arith.constant 0.899999976 : f32
    %div3A_170 = vector.broadcast %div3A_169 : f32 to vector<16x256xf32>
    %div3A_171 = arith.divf %div3A_170, %select_n3A_164 : vector<16x256xf32>
    %jit3A_172 = arith.constant 0.000000e+00 : f32
    %broadcast_in_dim3A_173 = vector.broadcast %jit3A_172 : f32 to vector<16x256xf32>
    %select_n3A_174 = arith.select %and3A_168, %div3A_171, %broadcast_in_dim3A_173 : vector<16x256xi1>, vector<16x256xf32>
    %get3A_175 = arith.constant 0 : index
    %get3A_176 = arith.constant 0 : index
    %get3A_177 = vector.load %arg5[%get3A_175, %get3A_176] : memref<16x256xf32, #tpu.memory_space<vmem>>, vector<16x256xf32>
    %sub3A_178 = arith.subf %get3A_177, %get3A_148 : vector<16x256xf32>
    %mul3A_179 = arith.mulf %select_n3A_156, %sub3A_178 : vector<16x256xf32>
    %get3A_180 = arith.constant 0 : index
    %get3A_181 = arith.constant 0 : index
    %get3A_182 = vector.load %arg3[%get3A_180, %get3A_181] : memref<16x256xf32, #tpu.memory_space<vmem>>, vector<16x256xf32>
    %get3A_183 = arith.constant 0 : index
    %get3A_184 = arith.constant 0 : index
    %get3A_185 = vector.load %arg4[%get3A_183, %get3A_184] : memref<16x256xf32, #tpu.memory_space<vmem>>, vector<16x256xf32>
    %mul3A_186 = arith.mulf %get3A_185, %get3A_148 : vector<16x256xf32>
    %sub3A_187 = arith.subf %get3A_182, %mul3A_186 : vector<16x256xf32>
    %mul3A_188 = arith.mulf %select_n3A_174, %sub3A_187 : vector<16x256xf32>
    %add3A_189 = arith.addf %mul3A_179, %mul3A_188 : vector<16x256xf32>
    %reduce_sum3A = vector.shape_cast %add3A_189 : vector<16x256xf32> to vector<1x16x256xf32>
    %reduce_sum3A_190 = arith.constant dense<0.000000e+00> : vector<1xf32>
    %reduce_sum3A_191 = vector.multi_reduction <add>, %reduce_sum3A, %reduce_sum3A_190 [1, 2] : vector<1x16x256xf32> to vector<1xf32>
    %reduce_sum3A_192 = vector.shape_cast %reduce_sum3A_191 : vector<1xf32> to vector<1x1x1xf32>
    %reduce_sum3A_193 = vector.extract %reduce_sum3A_192[0, 0, 0] : f32 from vector<1x1x1xf32>
    %neg3A = arith.constant 0.000000e+00 : f32
    %neg3A_194 = arith.subf %neg3A, %reduce_sum3A_193 : f32
    %swap3A = arith.constant 0 : index
    %swap3A_195 = arith.constant 0 : index
    %swap3A_196 = memref.load %arg7[%swap3A, %swap3A_195] : memref<1x1xf32, #tpu.memory_space<smem>>
    memref.store %neg3A_194, %arg7[%swap3A, %swap3A_195] : memref<1x1xf32, #tpu.memory_space<smem>>
    return
  }
}

</mosaic_0001>

<sc_bundles>
// kernel: kernel.5.cloned.1.call-start
scs
__scs_entry_jumppad:
0x0: {  	(pc) =	sbr.rel $0x88, $3  }
0x1: {  	(tag) =	ssettag $0x0;
	lr =	simm.s32 $0x1  }
0x2: {  	[smem:$0x3F9B] =	sst lr;
	_ =	strace $0xD0000000  }
0x3: {  	_ = 	snop  }
0x4: {  	_ = 	snop  }
0x5: {  	_ = 	snop  }
0x6: {  	_ = 	snop  }
0x7: {  	_ = 	snop  }
__scs_overlays_trampoline_lowered:
0x8: {  	[smem:$0x3FAA] =	sst s0  }
0x9: {  	[smem:$0x3FAB] =	sst s1  }
0xa: {  	[smem:$0x3FAC] =	sst s2  }
0xb: {  	[smem:$0x3FAD] =	sst s3  }
0xc: {  	[smem:$0x3FAE] =	sst s4  }
0xd: {  	[smem:$0x3FAF] =	sst s5  }
0xe: {  	[smem:$0x3FB0] =	sst s6  }
0xf: {  	[smem:$0x3FB1] =	sst s7  }
0x10: {  	[smem:$0x3FB2] =	sst s8  }
0x11: {  	[smem:$0x3FB3] =	sst s9;
	s0 =	simm.s32 @!p0 $0x0  }
0x12: {  	s1 =	sld [smem:$0x3F99];
	s0 =	simm.s32 @p0 $0x1  }
0x13: {  	[smem:$0x3FB4] =	sst s0;
	s0 =	simm.s32 @!p1 $0x0  }
0x14: {  	s2 =	sld [smem:$0x3F98];
	s0 =	simm.s32 @p1 $0x1  }
0x15: {  	[smem:$0x3FB5] =	sst s0;
	s0 =	simm.s32 @!p2 $0x0  }
0x16: {  	s3 =	sld [smem:$0x3FDB];
	s0 =	simm.s32 @p2 $0x1  }
0x17: {  	s4 =	simm.s32 $0x1BF5;
	[smem:$0x3FB7] =	sst s0  }
0x18: {  	s0 =	sld [smem:$0x3F9A];
	_ =	swait.ge [sflag:s4], $0x0  }
0x19: {  	s7 =	sld [smem:$0x3F9B]  }
0x1a: {  	s8 =	sadd.s32 $0xFFFFE003, lr  }
0x1b: {  	s9 =	sadd.s32 $0xFFFFFEF7, lr;
	s5 =	simm.s32 $0xFFFFFFFF;
	p2 =	slt.u32 s8, $0xFFFFF086  }
0x1c: {  	p1 =	slt.u32 s9, $0xF7A;
	s5 =	simm.s32 @!p2 $0x0  }
0x1d: {  	s5 =	simm.s32 @p1 $0x1;
	p0 =	seq.s32 s7, s2  }
0x1e: {  	s7 =	smul.u32 @!p0 $0xF7A, s2;
	p2 =	seq.s32 @!p0 s5, $0x0  }
0x1f: {  	s9 =	smul.u32 $0xF7A, s1;
	s8 =	simm.s32 @!p0 $0x1BF5;
	p2 =	por !p2, p0  }
0x20: {  	[sflag:s8] =	ssyncset.s32 @!p0 $0xFFFFF086;
	s6 =	sadd.s32 @!p0 s3, s7;
	s7 =	simm.s32 @!p0 $0x108  }
0x21: {  	s3 =	sadd.s32 s3, s9;
	s6 =	sadd.s32 @!p0 $0x88, s6;
	s7 =	simm.s32 @p2 $0x1082  }
0x22: {  	[simem:s7], [sflag:s8] =	dma.local @!p0 [hbm:s6], $0xF7A  }
0x23: {  	s9 =	sor.u32 $0xD0000000, s2;
	s6 =	simm.s32 $0x108;
	_ =	swait.ge @!p0 [sflag:s8], $0x0  }
0x24: {  	s3 =	sadd.s32 $0x88, s3;
	s6 =	simm.s32 @!p1 $0x1082;
	[sflag:s4] =	ssyncset.s32 $0xFFFFF086  }
0x25: {  	[simem:s6], [sflag:s4] =	dma.local [hbm:s3], $0xF7A  }
0x26: {  	[smem:$0x3F9B] =	sst s1;
	(tag) =	ssettag s2;
	_ =	strace s9  }
0x27: {  	s1 =	sld [smem:$0x3FAB]  }
0x28: {  	s2 =	sld [smem:$0x3FAC]  }
0x29: {  	s4 =	sld [smem:$0x3FAE]  }
0x2a: {  	p0 =	seq.s32 s5, $0x0;
	s5 =	sld [smem:$0x3FAF]  }
0x2b: {  	s6 =	sld [smem:$0x3FB0]  }
0x2c: {  	s7 =	sld [smem:$0x3FB1]  }
0x2d: {  	s3 =	simm.s32 $0x108;
	s8 =	sld [smem:$0x3FB2]  }
0x2e: {  	s3 =	simm.s32 @!p0 $0x1082;
	s9 =	sld [smem:$0x3FB3]  }
0x2f: {  	lr =	sadd.s32 s0, s3;
	s0 =	sld [smem:$0x3FAA]  }
0x30: {  	s3 =	sld [smem:$0x3FAD]  }
0x31: {  	[smem:$0x3FB6] =	sst s10  }
0x32: {  	s10 =	sld [smem:$0x3FB4];
	_ =	sdelay $0x3  }
0x33: {  	p0 =	seq.s32 s10, $0x1;
	s10 =	sld [smem:$0x3FB6];
	_ =	sdelay $0x3  }
0x34: {  	[smem:$0x3FB6] =	sst s10  }
0x35: {  	s10 =	sld [smem:$0x3FB5];
	_ =	sdelay $0x3  }
0x36: {  	p1 =	seq.s32 s10, $0x1;
	s10 =	sld [smem:$0x3FB6];
	_ =	sdelay $0x3  }
0x37: {  	[smem:$0x3FB6] =	sst s10  }
0x38: {  	s10 =	sld [smem:$0x3FB7]  }
0x39: {  	_ = 	snop;
	(pc) =	sbr.ind lr, $3  }
0x3a: {  	_ = 	snop  }
0x3b: {  	_ = 	snop  }
0x3c: {  	p2 =	seq.s32 s10, $0x1;
	s10 =	sld [smem:$0x3FB6]  }
0x3d: {  	_ =	shalt  }
0x3e: {  	_ =	shalt  }
0x3f: {  	_ =	shalt  }
0x40: {  	_ =	shalt  }
0x41: {  	_ =	shalt  }
0x42: {  	_ =	shalt  }
0x43: {  	_ =	shalt  }
0x44: {  	_ =	shalt  }
0x45: {  	_ =	shalt  }
0x46: {  	_ =	shalt  }
0x47: {  	_ =	shalt  }
0x48: {  	_ =	shalt  }
0x49: {  	_ =	shalt  }
0x4a: {  	_ =	shalt  }
0x4b: {  	_ =	shalt  }
0x4c: {  	_ =	shalt  }
0x4d: {  	_ =	shalt  }
0x4e: {  	_ =	shalt  }
0x4f: {  	_ =	shalt  }
0x50: {  	_ =	shalt  }
0x51: {  	_ =	shalt  }
0x52: {  	_ =	shalt  }
0x53: {  	_ =	shalt  }
0x54: {  	_ =	shalt  }
0x55: {  	_ =	shalt  }
0x56: {  	_ =	shalt  }
0x57: {  	_ =	shalt  }
0x58: {  	_ =	shalt  }
0x59: {  	_ =	shalt  }
0x5a: {  	_ =	shalt  }
0x5b: {  	_ =	shalt  }
0x5c: {  	_ =	shalt  }
0x5d: {  	_ =	shalt  }
0x5e: {  	_ =	shalt  }
0x5f: {  	_ =	shalt  }
0x60: {  	_ =	shalt  }
0x61: {  	_ =	shalt  }
0x62: {  	_ =	shalt  }
0x63: {  	_ =	shalt  }
0x64: {  	_ =	shalt  }
0x65: {  	_ =	shalt  }
0x66: {  	_ =	shalt  }
0x67: {  	_ =	shalt  }
0x68: {  	_ =	shalt  }
0x69: {  	_ =	shalt  }
0x6a: {  	_ =	shalt  }
0x6b: {  	_ =	shalt  }
0x6c: {  	_ =	shalt  }
0x6d: {  	_ =	shalt  }
0x6e: {  	_ =	shalt  }
0x6f: {  	_ =	shalt  }
0x70: {  	_ =	shalt  }
0x71: {  	_ =	shalt  }
0x72: {  	_ =	shalt  }
0x73: {  	_ =	shalt  }
0x74: {  	_ =	shalt  }
0x75: {  	_ =	shalt  }
0x76: {  	_ =	shalt  }
0x77: {  	_ =	shalt  }
0x78: {  	_ =	shalt  }
0x79: {  	_ =	shalt  }
0x7a: {  	_ =	shalt  }
0x7b: {  	_ =	shalt  }
0x7c: {  	_ =	shalt  }
0x7d: {  	_ =	shalt  }
0x7e: {  	_ =	shalt  }
0x7f: {  	_ =	shalt  }
0x80: {  	_ =	shalt  }
0x81: {  	_ =	shalt  }
0x82: {  	_ =	shalt  }
0x83: {  	_ =	shalt  }
0x84: {  	_ =	shalt  }
0x85: {  	_ =	shalt  }
0x86: {  	_ =	shalt  }
0x87: {  	_ =	shalt  }
.Lfunc_end0:
.L_simem_size_0:
called_computation_lowered:
.L_overlay_start_0:
0x88: {  	s2 =	sld [smem:$0x3FD9]  }
0x89: {  	s3 =	sld [smem:$0x3FFE];
	_ =	sdelay $0x1  }
0x8a: {  	s1 =	srdreg.scid  }
0x8b: {  	s0 =	sand.u32 $0x1, s1  }
0x8c: {  	s17 =	sshll.u32 s0, $0xA;
	s2 =	sadd.s32 s3, s2  }
0x8d: {  	s2 =	sadd.s32 s2, s17  }
0x8e: {  	[smem:$0x3FC2] =	sst s2  }
0x8f: {  	_ = 	snop  }
0x90: {  	s2 =	sld [smem:$0x3FC9]  }
0x91: {  	s18 =	sld [smem:$0x3FC8]  }
0x92: {  	s4 =	sld [smem:$0x3FD0];
	(tm) =	ssettm $0x1  }
0x93: {  	s5 =	sld [smem:$0x3FFB];
	_ =	sdelay $0x3  }
0x94: {  	_ =	strace s5  }
0x95: {  	s5 =	sld [smem:$0x3FFC];
	_ =	sdelay $0x3  }
0x96: {  	_ =	strace s5  }
0x97: {  	s5 =	sld [smem:$0x3FFD];
	_ =	sdelay $0x3  }
0x98: {  	_ =	strace s5  }
0x99: {  	_ =	strace $0x8FFFFFFF  }
0x9a: {  	s19 =	sld [smem:$0x3FDB];
	_ =	sdelay $0x1  }
0x9b: {  	s6 =	simm.s32 $_scs_section_size  }
0x9c: {  	s7 =	simm.s32 $_size__tile_overlayer_lowered;
	s8 =	simm.s32 $_tile_overlayer_lowered  }
0x9d: {  	s22 =	simm.s32 $0x1BFF;
	s21 =	sshll.u32 s8, $0x1;
	s5 =	sadd.s32 s6, s19  }
0x9e: {  	s9 =	simm.s32 $0x0;
	s20 =	sshll.u32 s7, $0x1;
	s7 =	sadd.s32 s21, s5  }
0x9f: {  	[timem:s9], [sflag:s22] =	dma.local [hbm:s7], s20  }
0xa0: {  	_ =	swait.ge [sflag:s22], s20  }
0xa1: {  	s6 =	ssub.s32 $0x0, s20;
	[sflag:s22] =	ssyncset.done $0x0  }
0xa2: {  	[sflag:s22] =	ssyncadd.s32 s6;
	_ =	sdelay $0x1  }
0xa3: {  	s23 =	simm.s32 $0x1B8B  }
0xa4: {  	_ =	swait.ge [sflag:s23], $0x1  }
0xa5: {  	[sflag:s23] =	ssyncset.done $0x0  }
0xa6: {  	s25 =	simm.s32 $0x1B8E;
	s24 =	sld [smem:$0x3FFE];
	[sflag:s23] =	ssyncadd.s32 $0xFFFFFFFF  }
0xa7: {  	s26 =	simm.s32 $execute0_lowered;
	[smem:$0x3FD2] =	sst s25  }
0xa8: {  	s7 =	sshll.u32 s26, $0x1;
	_ =	strace $0x80000046;
	[dreg:$0x1] =	wrdreg $0xFFFFFFFF  }
0xa9: {  	s28 =	simm.s32 $_size_execute0_lowered;
	s5 =	sadd.s32 s5, s7;
	[dreg:$0x0] =	wrdreg $0x0  }
0xaa: {  	s7 =	sshll.u32 s28, $0x1;
	[dreg:$0x2] =	wrdreg s5  }
0xab: {  	[dreg:$0x3] =	wrdreg s7  }
0xac: {  	[dreg:$0x4] =	wrdreg $0xC0  }
0xad: {  	_ =	task [dreg:s9], $0x5FFFF  }
0xae: {  	[dreg:$0x1] =	wrdreg $0xFFFFFFFF  }
0xaf: {  	[dreg:$0x0] =	wrdreg $0x60  }
0xb0: {  	[dreg:$0x2] =	wrdreg s2  }
0xb1: {  	[dreg:$0x3] =	wrdreg s24  }
0xb2: {  	[dreg:$0x4] =	wrdreg s18  }
0xb3: {  	[dreg:$0x5] =	wrdreg s4  }
0xb4: {  	[dreg:$0x6] =	wrdreg $0x9  }
0xb5: {  	_ =	task.clear_ibuf [dreg:s9], $0x7FFFF;
	_ =	strace $0x90000046  }
0xb6: {  	s29 =	simm.s32 $0x9;
	_ =	strace $0x80000048  }
0xb7: {  	_ =	swait.ge [sflag:s29], $0x1  }
0xb8: {  	[sflag:s29] =	ssyncadd.s32 $0xFFFFFFFF  }
0xb9: {  	_ =	strace $0x90000048  }
0xba: {  	_ =	sfence  }
0xbb: {  	s30 =	sld [smem:$0x0];
	_ =	sdelay $0x2  }
0xbc: {  	s31 =	sshll.u32 s1, $0xD;
	s1 =	sshrl.u32 s1, $0x2  }
0xbd: {  	s3 =	sand.u32 $0x4000, s31;
	s1 =	sadd.s32 s1, s30  }
0xbe: {  	s0 =	sor.u32 s3, s0;
	s1 =	sshll.u32 s1, $0x11  }
0xbf: {  	s0 =	sor.u32 s1, s0  }
0xc0: {  	s0 =	sadd.s32 $0x8F2B, s0  }
0xc1: {  	[sflag:s0] =	ssyncadd.remote.s32 $0x1  }
0xc2: {  	_ =	sfence.sel $0xFFFF  }
0xc3: {  	[dreg:$0x0] =	wrdreg $0xFFFFFFFF;
	(pc) =	sbr.abs _section_cstart, $3  }
0xc4: {  	[dreg:$0x1] =	wrdreg $0xFFFFFFFF  }
0xc5: {  	_ =	task.clear_ibuf [dreg:s9], $0x2FFFF;
	_ =	strace $0x9FFFFFFF  }
0xc6: {  	(tm) =	ssettm $0x7FFFFFFF  }
0xc7: {  	_ =	shalt  }
tec
execute0_lowered:
.L_overlay_start_1:
0x0: {  	(tag) =	ssettag $0x1  }
0x1: {  	s1 =	rddreg [dreg:$0x0]  }
0x2: {  	s0 =	rddreg [dreg:$0x1];
	s5 =	simm.s32 $0x0;
	s2 =	srdreg.scid  }
0x3: {  	s3 =	stileid.u32;
	s18 =	simm.s32 $0x4;
	s28 =	simm.s32 $0xDA80  }
0x4: {  	s29 =	simm.s32 $0xDB00;
	s30 =	simm.s32 $0x2;
	s31 =	simm.s32 $0x15900  }
0x5: {  	v1 =	vimm.s32 $0x8040201;
	[smem:$0x7FF] =	sst s5;
	s2 =	sand.u32 $0x1, s2;
	s3 =	sshll.u32 s3, $0x1  }
0x6: {  	v2 =	vimm.s32 $0x80402010;
	s7 =	sadd.s32 $0x600, s0;
	s22 =	sadd.s32 $0x10, s1;
	_ =	strace $0x80000047  }
0x7: {  	v0 =	vlaneseq.u32;
	v3 =	vunpack.c.0.s8.s32 v1;
	v4 =	vunpack.c.0.s8.s32 v2;
	s6 =	sor.u32 s2, s3;
	s2 =	ssub.s32 $0x2, s2;
	[dreg:$0x6] =	wrdreg s7  }
0x8: {  	vm0 =	vcmask $0xF00;
	vm2 =	vcmask $0x1F10;
	vm1 =	vcmask $0x704;
	[dreg:$0x7] =	wrdreg s22;
	s3 =	sshll.u32 s6, $0x4;
	s4 =	smul.u32 $0x3E800, s6  }
0x9: {  	vm15 =	vcmask $0x2320;
	s20 =	sshrl.u32 s2, $0x1;
	v3 =	vnsel vm0, $0x8000, v3;
	v4 =	vand.u32 $0xFF, v4;
	s23 =	sshll.u32 s6, $0x3;
	s0 =	sadd.s32 s3, s0  }
0xa: {  	vm3 =	vcmask $0x2724;
	vm4 =	vcmask $0xF0C;
	s2 =	ssub.s32 s2, s20;
	v3 =	vsel vm2, v4, v3;
	[dreg:$0x8] =	wrdreg s23;
	s13 =	sadd.s32 $0xC180, s23  }
0xb: {  	vm5 =	vcmask $0x2B28;
	vm6 =	vcmask $0x1310;
	s23 =	simm.s32 $0x1;
	[dreg:$0x5] =	wrdreg s4;
	s24 =	sadd.s32 $0x1000, s0;
	v3 =	vsel vm15, $0x100, v3  }
0xc: {  	vm7 =	vcmask $0x2F2C;
	vm8 =	vcmask $0x1714;
	s21 =	sshrl.u32 s4, $0x3;
	s25 =	sadd.s32 $0x1200, s0;
	[dreg:$0xb] =	wrdreg s24;
	v3 =	vsel vm3, $0x200, v3  }
0xd: {  	vm9 =	vcmask $0x3330;
	vm14 =	vcmask $0x3F3C;
	s0 =	sadd.s32 $0x1400, s0;
	s26 =	smax.u32 s2, $0x1;
	[dreg:$0xc] =	wrdreg s25;
	v3 =	vsel vm5, $0x400, v3  }
0xe: {  	vm10 =	vcmask $0x1B18;
	vm11 =	vcmask $0x3734;
	s4 =	simm.s32 $0x0;
	s8 =	sadd.s32 s1, s21;
	[dreg:$0xd] =	wrdreg s0;
	v3 =	vsel vm7, $0x800, v3  }
0xf: {  	vm12 =	vcmask $0x1F1C;
	vm13 =	vcmask $0x3B38;
	s3 =	sadd.s32 s21, s22;
	[dreg:$0xe] =	wrdreg s26;
	s21 =	simm.s32 $0x4480;
	v3 =	vsel vm9, $0x1000, v3  }
0x10: {  	v1 =	vimm.s32 $0x0;
	v2 =	vadd.s32 $0x1, v0;
	s22 =	simm.s32 $0x4000;
	s26 =	simm.s32 $0xDC00;
	[dreg:$0x9] =	wrdreg s8;
	v3 =	vsel vm11, $0x2000, v3  }
0x11: {  	vm2 =	vcmask $0xB08;
	v4 =	vimm.f32 $0.0e+00;
	s0 =	simm.s32 $0x3;
	[dreg:$0xa] =	wrdreg s3;
	s3 =	simm.s32 $0xDB80;
	v3 =	vsel vm13, $0x4000, v3  }
.LBB2_1:
0x12: {  	[dreg:$0xf] =	wrdreg s4  }
0x13: {  	s2 =	rddreg [dreg:$0x6]  }
0x14: {  	[tilespmem:s5], [sflag:$0x4] =	stream.linear.gather [hbm4b:s2+s5], $0x4000, $0x38;
	[tilespmem:$0x1D600] =	vst v63  }
0x15: {  	_ =	swait.ge [sflag:s18], $0x4000  }
0x16: {  	[sflag:s18] =	ssyncset.done $0x0  }
0x17: {  	[sflag:s18] =	ssyncadd.s32 $0xFFFFC000  }
0x18: {  	s20 =	simm.s32 $0xC180;
	s19 =	rddreg [dreg:$0x2]  }
0x19: {  	[tilespmem:s20], [sflag:$0x4] =	stream.linear.gather [hbm4b:s19+s5], $0x1000, $0x38;
	[tilespmem:$0x1D600] =	vst v63  }
0x1a: {  	_ =	swait.ge [sflag:s18], $0x1000  }
0x1b: {  	[sflag:s18] =	ssyncset.done $0x0  }
0x1c: {  	[sflag:s18] =	ssyncadd.s32 $0xFFFFF000  }
0x1d: {  	s25 =	simm.s32 $0xD200;
	s24 =	rddreg [dreg:$0x3]  }
0x1e: {  	[tilespmem:s25], [sflag:$0x4] =	stream.linear.gather [hbm4b:s24+s5], $0x10, $0x38;
	[tilespmem:$0x1D600] =	vst v63  }
0x1f: {  	_ =	swait.ge [sflag:s18], $0x10  }
0x20: {  	[sflag:s18] =	ssyncset.done $0x0  }
0x21: {  	[sflag:s18] =	ssyncadd.s32 $0xFFFFFFF0  }
0x22: {  	s4 =	simm.s32 $0x40;
	s7 =	simm.s32 $0x0;
	v5 =	vld [tilespmem:$0xD200]  }
.LBB2_2:
0x23: {  	p0 =	sne.s32 s4, $0x1F3C0;
	[tilespmem:s7+$0x4480] =	vst v1;
	s7 =	smov.u32 s4;
	s4 =	sadd.s32 $0x40, s4  }
.Ltmp0:
0x24: {  	(pc) =	sbr.rel @p0 .LBB2_2-.Ltmp0, $2  }
0x25: {  	_ =	sdelay $0x2  }
0x26: {  	s7 =	sshra.s32 s7, $0x2  }
0x27: {  	[tilespmem:s7+$0x4480] =	vst v1;
	s4 =	simm.s32 $0x0;
	s19 =	simm.s32 $0x0;
	s20 =	simm.s32 $0x0  }
.LBB2_4:
0x28: {  	s7 =	sshll.u32 s20, $0xD  }
0x29: {  	s24 =	sand.u32 $0x780, s4;
	s8 =	sshra.s32 s7, $0x2  }
0x2a: {  	s9 =	sand.u32 $0x70, s4;
	s7 =	sadd.s32 s24, s8  }
0x2b: {  	s7 =	sadd.s32 s9, s7  }
0x2c: {  	v6 =	vld [tilespmem:s7+$0x0];
	_ =	sdelay $0x6  }
0x2d: {  	v7 =	vadd.s32 s4, v2  }
0x2e: {  	[tilespmem:v6+s21+$0x0] =	vst.idx.msk $0x1, v7  }
0x2f: {  	[tilespmem:v6+s21+$0x0] =	vst.idx.msk vm1, v7  }
0x30: {  	[tilespmem:v6+s21+$0x0] =	vst.idx.msk vm2, v7  }
0x31: {  	[tilespmem:v6+s21+$0x0] =	vst.idx.msk vm4, v7  }
0x32: {  	[tilespmem:v6+s21+$0x0] =	vst.idx.msk vm6, v7  }
0x33: {  	[tilespmem:v6+s21+$0x0] =	vst.idx.msk vm8, v7  }
0x34: {  	[tilespmem:v6+s21+$0x0] =	vst.idx.msk vm10, v7  }
0x35: {  	[tilespmem:v6+s21+$0x0] =	vst.idx.msk vm12, v7  }
0x36: {  	[tilespmem:v6+s21+$0x0] =	vst.idx.msk vm15, v7  }
0x37: {  	[tilespmem:v6+s21+$0x0] =	vst.idx.msk vm3, v7  }
0x38: {  	[tilespmem:v6+s21+$0x0] =	vst.idx.msk vm5, v7  }
0x39: {  	[tilespmem:v6+s21+$0x0] =	vst.idx.msk vm7, v7  }
0x3a: {  	s11 =	simm.s32 $0x10;
	[tilespmem:v6+s21+$0x0] =	vst.idx.msk vm9, v7  }
0x3b: {  	s25 =	sand.u32 $0x780, s11;
	[tilespmem:v6+s21+$0x0] =	vst.idx.msk vm11, v7  }
0x3c: {  	s12 =	simm.s32 $0x20;
	s9 =	sadd.s32 s25, s8;
	s7 =	sand.u32 $0x70, s11;
	[tilespmem:v6+s21+$0x0] =	vst.idx.msk vm13, v7  }
.LBB2_5:
0x3d: {  	p0 =	sne.s32 s12, $0x7F0  }
0x3e: {  	s7 =	sadd.s32 s7, s9;
	[tilespmem:v6+s21+$0x0] =	vst.idx.msk vm14, v7;
	s9 =	smov.u32 s12;
	s12 =	sadd.s32 $0x10, s12  }
0x3f: {  	v6 =	vld [tilespmem:s7+$0x0];
	_ =	sdelay $0x6  }
0x40: {  	v7 =	vadd.s32 s11, v2;
	s11 =	smov.u32 s9  }
0x41: {  	[tilespmem:v6+s21+$0x0] =	vst.idx.msk $0x1, v7  }
0x42: {  	[tilespmem:v6+s21+$0x0] =	vst.idx.msk vm1, v7  }
0x43: {  	[tilespmem:v6+s21+$0x0] =	vst.idx.msk vm2, v7  }
0x44: {  	[tilespmem:v6+s21+$0x0] =	vst.idx.msk vm4, v7  }
0x45: {  	[tilespmem:v6+s21+$0x0] =	vst.idx.msk vm6, v7  }
0x46: {  	[tilespmem:v6+s21+$0x0] =	vst.idx.msk vm8, v7  }
0x47: {  	[tilespmem:v6+s21+$0x0] =	vst.idx.msk vm10, v7  }
0x48: {  	[tilespmem:v6+s21+$0x0] =	vst.idx.msk vm12, v7  }
0x49: {  	[tilespmem:v6+s21+$0x0] =	vst.idx.msk vm15, v7  }
0x4a: {  	[tilespmem:v6+s21+$0x0] =	vst.idx.msk vm3, v7  }
.Ltmp1:
0x4b: {  	[tilespmem:v6+s21+$0x0] =	vst.idx.msk vm5, v7;
	(pc) =	sbr.rel @p0 .LBB2_5-.Ltmp1, $4  }
0x4c: {  	[tilespmem:v6+s21+$0x0] =	vst.idx.msk vm7, v7  }
0x4d: {  	[tilespmem:v6+s21+$0x0] =	vst.idx.msk vm9, v7  }
0x4e: {  	s9 =	sand.u32 $0x780, s11;
	[tilespmem:v6+s21+$0x0] =	vst.idx.msk vm11, v7  }
0x4f: {  	s7 =	sand.u32 $0x70, s11;
	s9 =	sadd.s32 s9, s8;
	[tilespmem:v6+s21+$0x0] =	vst.idx.msk vm13, v7  }
0x50: {  	_ =	sdelay $0x4  }
0x51: {  	s7 =	sadd.s32 s7, s9;
	[tilespmem:v6+s21+$0x0] =	vst.idx.msk vm14, v7  }
0x52: {  	v6 =	vld [tilespmem:s7+$0x0];
	_ =	sdelay $0x6  }
0x53: {  	v7 =	vadd.s32 s11, v2  }
0x54: {  	[tilespmem:v6+s21+$0x0] =	vst.idx.msk $0x1, v7  }
0x55: {  	[tilespmem:v6+s21+$0x0] =	vst.idx.msk vm1, v7  }
0x56: {  	[tilespmem:v6+s21+$0x0] =	vst.idx.msk vm2, v7  }
0x57: {  	[tilespmem:v6+s21+$0x0] =	vst.idx.msk vm4, v7  }
0x58: {  	[tilespmem:v6+s21+$0x0] =	vst.idx.msk vm6, v7  }
0x59: {  	[tilespmem:v6+s21+$0x0] =	vst.idx.msk vm8, v7  }
0x5a: {  	[tilespmem:v6+s21+$0x0] =	vst.idx.msk vm10, v7  }
0x5b: {  	[tilespmem:v6+s21+$0x0] =	vst.idx.msk vm12, v7  }
0x5c: {  	[tilespmem:v6+s21+$0x0] =	vst.idx.msk vm15, v7  }
0x5d: {  	[tilespmem:v6+s21+$0x0] =	vst.idx.msk vm3, v7  }
0x5e: {  	p1 =	por $0x1, $0x1;
	[tilespmem:v6+s21+$0x0] =	vst.idx.msk vm5, v7  }
.Ltmp2:
0x5f: {  	[tilespmem:v6+s21+$0x0] =	vst.idx.msk vm7, v7;
	(pc) =	sbr.rel @!p1 .LBB2_10-.Ltmp2, $4  }
0x60: {  	[tilespmem:v6+s21+$0x0] =	vst.idx.msk vm9, v7  }
0x61: {  	s14 =	simm.s32 $0x0;
	s11 =	simm.s32 $0x10;
	[tilespmem:v6+s21+$0x0] =	vst.idx.msk vm11, v7  }
0x62: {  	p0 =	por $0x0, $0x0;
	s16 =	simm.s32 $0x0;
	s12 =	sand.u32 $0x780, s14;
	[tilespmem:v6+s21+$0x0] =	vst.idx.msk vm13, v7  }
0x63: {  	s15 =	smov.u32 s19;
	p2 =	por $0x0, $0x0;
	s7 =	smov.u32 s12;
	[tilespmem:v6+s21+$0x0] =	vst.idx.msk vm14, v7  }
0x64: {  	s7 =	sand.u32 $0x70, s14;
	s9 =	sadd.s32 s12, s8  }
0x65: {  	s7 =	sadd.s32 s7, s9  }
0x66: {  	v6 =	vld [tilespmem:s7+$0x0];
	_ =	sdelay $0x7  }
0x67: {  	v7 =	vld.idx.msk [tilespmem:v6+s21+$0x0], $0xffff;
	_ =	sdelay $0x3  }
0x68: {  	v8 =	vadd.s32 s14, v2  }
0x69: {  	vm15 =	vne.s32 v6, $0x0;
	vm0 =	veq.s32 v7, v8  }
0x6a: {  	vm15 =	vmand vm15, vm0  }
0x6b: {  	v6 =	vnsel vm15, $0x0, v3  }
0x6c: {  	(xrf0) =	vadd.scan.msk.s32 $0xffff, v6;
	_ =	sdelay $0x1  }
0x6d: {  	p3 =	por $0x1, $0x1  }
.Ltmp3:
0x6e: {  	_ = 	snop;
	(pc) =	sbr.rel @!p3 .LBB2_8-.Ltmp3, $3  }
0x6f: {  	v6 =	vmov s19;
	_ =	sdelay $0x1  }
0x70: {  	s17 =	simm.s32 $0x20;
	p2 =	por $0x1, $0x1;
	v7, _, _ =	vpop (xrf0)  }
0x71: {  	s16 =	simm.s32 $0x10;
	s15 =	smov.u32 s19;
	s7 =	sand.u32 $0x780, s11;
	v7 =	vbroadcast v7, $0xF  }
.LBB2_9:
0x72: {  	p3 =	sne.s32 s17, $0x7F0;
	s9 =	sand.u32 $0x70, s16;
	s7 =	sadd.s32 s7, s8  }
0x73: {  	s7 =	sadd.s32 s9, s7;
	[tilespmem:v6+s22+$0x0] =	vst.idx.msk $0x1, v7  }
0x74: {  	v6 =	vld [tilespmem:s7+$0x0];
	_ =	sdelay $0x7  }
0x75: {  	v7 =	vld.idx.msk [tilespmem:v6+s21+$0x0], $0xffff;
	_ =	sdelay $0x4  }
0x76: {  	v8 =	vadd.s32 s16, v2;
	s16 =	smov.u32 s17  }
0x77: {  	vm0 =	vne.s32 v6, $0x0;
	vm15 =	veq.s32 v7, v8  }
0x78: {  	vm0 =	vmand vm0, vm15  }
0x79: {  	v6 =	vnsel vm0, $0x0, v3  }
0x7a: {  	(xrf0) =	vadd.scan.msk.s32 $0xffff, v6;
	_ =	sdelay $0x2  }
.Ltmp4:
0x7b: {  	s15 =	sadd.s32 $0x1, s15;
	(pc) =	sbr.rel @p3 .LBB2_9-.Ltmp4, $3  }
0x7c: {  	v6 =	vmov s15;
	_ =	sdelay $0x1  }
0x7d: {  	v7, _, _ =	vpop (xrf0)  }
0x7e: {  	s17 =	sadd.s32 $0x10, s17;
	s7 =	sand.u32 $0x780, s16;
	v7 =	vbroadcast v7, $0xF  }
.LBB2_10:
0x7f: {  	_ =	sdelay $0x2  }
0x80: {  	s9 =	sand.u32 $0x70, s16;
	s7 =	sadd.s32 s7, s8  }
0x81: {  	s7 =	sadd.s32 s9, s7;
	[tilespmem:v6+s22+$0x0] =	vst.idx.msk @p2 $0x1, v7  }
0x82: {  	v6 =	vld [tilespmem:s7+$0x0];
	_ =	sdelay $0x7  }
0x83: {  	v7 =	vld.idx.msk [tilespmem:v6+s21+$0x0], $0xffff;
	_ =	sdelay $0x3  }
0x84: {  	v8 =	vadd.s32 s16, v2  }
0x85: {  	vm15 =	vne.s32 v6, $0x0;
	vm0 =	veq.s32 v7, v8  }
0x86: {  	vm0 =	vmand vm15, vm0  }
0x87: {  	v6 =	vnsel vm0, $0x0, v3  }
0x88: {  	(xrf0) =	vadd.scan.msk.s32 $0xffff, v6;
	_ =	sdelay $0x1  }
0x89: {  	s9 =	smov.u32 s19;
	s7 =	sadd.s32 @p2 $0x1, s15  }
0x8a: {  	s9 =	smov.u32 @p2 s7  }
0x8b: {  	v6 =	vmov s9  }
.Ltmp5:
0x8c: {  	_ = 	snop;
	(pc) =	sbr.rel @!p1 .LBB2_11-.Ltmp5, $3  }
0x8d: {  	v7, _, _ =	vpop (xrf0)  }
0x8e: {  	v7 =	vbroadcast v7, $0xF;
	_ =	sdelay $0x1  }
0x8f: {  	[tilespmem:v6+s22+$0x0] =	vst.idx.msk $0x1, v7  }
0x90: {  	s7 =	sand.u32 $0x70, s14;
	s9 =	sadd.s32 s12, s8  }
0x91: {  	s7 =	sadd.s32 s7, s9  }
0x92: {  	v6 =	vld [tilespmem:s7+$0x0]  }
0x93: {  	p1 =	por $0x1, $0x1  }
.Ltmp6:
0x94: {  	_ = 	snop;
	(pc) =	sbr.rel @!p1 .LBB2_13-.Ltmp6, $2  }
0x95: {  	_ =	sdelay $0x2  }
0x96: {  	s12 =	sand.u32 $0x780, s11;
	p0 =	por $0x1, $0x1;
	s7 =	simm.s32 $0x20  }
.LBB2_14:
0x97: {  	p1 =	sne.s32 s7, $0x7F0;
	s9 =	sand.u32 $0x70, s11;
	s10 =	sadd.s32 s12, s8  }
0x98: {  	s11 =	smov.u32 s7;
	s9 =	sadd.s32 s9, s10;
	[tilespmem:v6+s21+$0x0] =	vst.idx.msk $0xffff, v1  }
0x99: {  	v6 =	vld [tilespmem:s9+$0x0];
	_ =	sdelay $0x1  }
.Ltmp7:
0x9a: {  	(pc) =	sbr.rel @p1 .LBB2_14-.Ltmp7, $2  }
0x9b: {  	_ =	sdelay $0x2  }
0x9c: {  	s7 =	sadd.s32 $0x10, s7;
	s12 =	sand.u32 $0x780, s11  }
0x9d: {  	s14 =	smov.u32 s11;
	vm15 =	vcmask $0x2320  }
.LBB2_16:
0x9e: {  	_ =	sdelay $0x2  }
0x9f: {  	s7 =	sand.u32 $0x70, s14;
	s8 =	sadd.s32 s12, s8  }
0xa0: {  	[tilespmem:v6+s21+$0x0] =	vst.idx.msk @p0 $0xffff, v1;
	s7 =	sadd.s32 s7, s8  }
0xa1: {  	v6 =	vld [tilespmem:s7+$0x0];
	_ =	sdelay $0x1  }
0xa2: {  	s20 =	sadd.s32 $0x1, s20  }
0xa3: {  	p0 =	sne.s32 s20, $0x8  }
.Ltmp8:
0xa4: {  	_ = 	snop;
	(pc) =	sbr.rel @p0 .LBB2_4-.Ltmp8, $4  }
.Ltmp9:
0xa5: {  	_ = 	snop;
	(pc) =	sbr.rel @!p0 .LBB2_17-.Ltmp9, $4  }
0xa6: {  	_ = 	snop  }
0xa7: {  	_ = 	snop  }
0xa8: {  	s19 =	sadd.s32 $0x80, s19;
	[tilespmem:v6+s21+$0x0] =	vst.idx.msk $0xffff, v1  }
0xa9: {  	_ = 	snop  }
.LBB2_11:
.Ltmp10:
0xaa: {  	(pc) =	sbr.rel .LBB2_16-.Ltmp10, $2  }
0xab: {  	_ =	sdelay $0x2  }
0xac: {  	vm15 =	vcmask $0x2320  }
.LBB2_8:
.Ltmp11:
0xad: {  	(pc) =	sbr.rel .LBB2_10-.Ltmp11, $2  }
0xae: {  	_ =	sdelay $0x2  }
0xaf: {  	s16 =	simm.s32 $0x10;
	s15 =	smov.u32 s19  }
.LBB2_13:
.Ltmp12:
0xb0: {  	(pc) =	sbr.rel .LBB2_16-.Ltmp12, $2  }
0xb1: {  	_ =	sdelay $0x2  }
0xb2: {  	s14 =	simm.s32 $0x10;
	vm15 =	vcmask $0x2320  }
.LBB2_17:
0xb3: {  	[tilespmem:$0xDA80] =	vst v4  }
0xb4: {  	[tilespmem:$0xDB00] =	vst v4  }
0xb5: {  	[tilespmem:$0xDA90] =	vst v4  }
0xb6: {  	[tilespmem:$0xDB10] =	vst v4  }
0xb7: {  	[tilespmem:$0xDAA0] =	vst v4  }
0xb8: {  	[tilespmem:$0xDB20] =	vst v4  }
0xb9: {  	[tilespmem:$0xDAB0] =	vst v4  }
0xba: {  	[tilespmem:$0xDB30] =	vst v4  }
0xbb: {  	[tilespmem:$0xDAC0] =	vst v4  }
0xbc: {  	[tilespmem:$0xDB40] =	vst v4  }
0xbd: {  	[tilespmem:$0xDAD0] =	vst v4  }
0xbe: {  	[tilespmem:$0xDB50] =	vst v4  }
0xbf: {  	[tilespmem:$0xDAE0] =	vst v4  }
0xc0: {  	[tilespmem:$0xDB60] =	vst v4  }
0xc1: {  	[tilespmem:$0xDAF0] =	vst v4  }
0xc2: {  	[tilespmem:$0xDB70] =	vst v4;
	s11 =	rddreg [dreg:$0x8]  }
0xc3: {  	v6 =	vld [tilespmem:s11+$0xC180];
	_ =	sdelay $0x3  }
0xc4: {  	(v2sf) =	vpush v5, $0x0  }
0xc5: {  	(v2sf) =	vpush v6, $0x0;
	_ =	sdelay $0x4  }
0xc6: {  	v5 =	vld [tilespmem:$0xD201];
	_ =	sdelay $0x4  }
0xc7: {  	(v2sf) =	vpush v5, $0x0;
	_ =	sdelay $0x3  }
0xc8: {  	s4 =	spop (v2sf)  }
0xc9: {  	s7 =	spop (v2sf)  }
0xca: {  	s8 =	sand.u32 $0xF, s7  }
0xcb: {  	s9 =	sshra.s32 s7, $0x1F;
	p0 =	slt.s32 s7, $0x1;
	p1 =	sne.s32 s8, $0x0  }
0xcc: {  	s20 =	sshrl.u32 s9, $0x1C;
	p0 =	por !p0, !p1  }
0xcd: {  	s8 =	simm.s32 $0x1;
	s7 =	sadd.s32 s20, s7;
	p0 =	por !p0, !p0  }
0xce: {  	s7 =	sshra.s32 s7, $0x4;
	s8 =	simm.s32 @!p0 $0x0  }
0xcf: {  	s7 =	ssub.s32 s7, s8  }
0xd0: {  	s8 =	sshll.u32 s7, $0x7  }
0xd1: {  	s2 =	rddreg [dreg:$0x5];
	s7 =	sshll.u32 s7, $0x4;
	s8 =	sand.u32 $0xFFFFFC00, s8  }
0xd2: {  	s7 =	sand.u32 $0x70, s7;
	s8 =	sadd.s32 s2, s8  }
0xd3: {  	s14 =	simm.s32 $0xD280;
	s24 =	spop (v2sf);
	s7 =	sor.u32 s7, s8  }
0xd4: {  	s25 =	sadd.s32 s6, s4;
	s8 =	sadd.s32 $0xFFFFFFFE, s24;
	s7 =	sshrl.u32 s7, $0x3  }
0xd5: {  	s12 =	rddreg [dreg:$0x9];
	p0 =	sge.s32 s25, s8;
	s7 =	sadd.s32 s1, s7  }
0xd6: {  	[tilespmem:s14], [sflag:$0x3] =	stream.linear.gather [hbm4b:s7+s5], $0x10, $0x38;
	[tilespmem:$0x1D600] =	vst v63  }
0xd7: {  	s8 =	simm.s32 @!p0 $0x400;
	s10 =	simm.s32 @!p0 $0xDC00;
	s7 =	simm.s32 @!p0 $0x80  }
0xd8: {  	[tilespmem:s10], [sflag:$0x1] =	stream.strided.gather @!p0 [hbm4b:s12+s7], $0x7D00, s8, s7, $0x38;
	[tilespmem:$0x1D600] =	vst v63  }
0xd9: {  	v5 =	vld [tilespmem:s11+$0xC181];
	_ =	sdelay $0x4  }
0xda: {  	(v2sf) =	vpush v5, $0x0;
	_ =	sdelay $0x3  }
0xdb: {  	v5 =	vld [tilespmem:$0xD202];
	_ =	sdelay $0x4  }
0xdc: {  	(v2sf) =	vpush v5, $0x0;
	_ =	sdelay $0x5  }
0xdd: {  	s15 =	spop (v2sf)  }
0xde: {  	s16 =	sand.u32 $0xF, s15  }
0xdf: {  	s17 =	sshra.s32 s15, $0x1F;
	p5 =	slt.s32 s15, $0x1;
	p6 =	sne.s32 s16, $0x0  }
0xe0: {  	s19 =	sshrl.u32 s17, $0x1C;
	p0 =	por !p5, !p6  }
0xe1: {  	s8 =	simm.s32 $0x1;
	s7 =	sadd.s32 s19, s15;
	p0 =	por !p0, !p0  }
0xe2: {  	s7 =	sshra.s32 s7, $0x4;
	s8 =	simm.s32 @!p0 $0x0  }
0xe3: {  	s7 =	ssub.s32 s7, s8  }
0xe4: {  	s24 =	rddreg [dreg:$0x7];
	s8 =	sshll.u32 s7, $0x7  }
0xe5: {  	s19 =	simm.s32 $0x0;
	s7 =	sshll.u32 s7, $0x4;
	s8 =	sand.u32 $0xFFFFFC00, s8  }
0xe6: {  	s20 =	spop (v2sf);
	s7 =	sand.u32 $0x70, s7;
	s8 =	sadd.s32 s2, s8  }
0xe7: {  	s2 =	rddreg [dreg:$0xa];
	s7 =	sor.u32 s7, s8;
	s8 =	sadd.s32 $0xFFFFFFFE, s20  }
0xe8: {  	s20 =	simm.s32 $0x0;
	s7 =	sshrl.u32 s7, $0x3;
	p0 =	sge.s32 s25, s8  }
0xe9: {  	s25 =	simm.s32 $0xD290;
	s7 =	sadd.s32 s7, s24;
	s8 =	simm.s32 @!p0 $0x400  }
0xea: {  	[tilespmem:s25], [sflag:$0x3] =	stream.linear.gather [hbm4b:s7+s5], $0x10, $0x38;
	[tilespmem:$0x1D600] =	vst v63  }
0xeb: {  	s9 =	simm.s32 @!p0 $0x15900;
	s24 =	simm.s32 $0x0;
	s7 =	simm.s32 @!p0 $0x80  }
0xec: {  	[tilespmem:s9], [sflag:$0x2] =	stream.strided.gather @!p0 [hbm4b:s2+s7], $0x7D00, s8, s7, $0x38;
	[tilespmem:$0x1D600] =	vst v63  }
.LBB2_18:
0xed: {  	s25 =	sshll.u32 s24, $0x1  }
0xee: {  	s7 =	sand.u32 $0x6, s25  }
0xef: {  	v5 =	vld [tilespmem:s7+$0xD201];
	_ =	sdelay $0x4  }
0xf0: {  	(v2sf) =	vpush v5, $0x0;
	_ =	sdelay $0xc  }
0xf1: {  	s8 =	sshll.u32 s24, $0x3  }
0xf2: {  	s8 =	sand.u32 $0x1E0, s8  }
0xf3: {  	s9 =	sor.u32 s6, s8;
	s10 =	spop (v2sf)  }
0xf4: {  	s8 =	sadd.s32 s4, s9;
	s10 =	sadd.s32 $0xFFFFFFFE, s10  }
0xf5: {  	p0 =	sge.s32 s8, s10  }
.Ltmp13:
0xf6: {  	_ = 	snop;
	(pc) =	sbr.rel @p0 .LBB2_27-.Ltmp13, $3  }
0xf7: {  	_ =	sdelay $0x1  }
0xf8: {  	s9 =	sshll.u32 s9, $0x3  }
0xf9: {  	s11 =	sadd.s32 $0xC180, s9;
	s12 =	sshra.s32 s8, $0x1F  }
0xfa: {  	s9 =	sand.u32 $0xF, s8  }
0xfb: {  	p0 =	slt.s32 s8, $0x1;
	p1 =	sne.s32 s9, $0x0  }
0xfc: {  	s16 =	sshrl.u32 s12, $0x1C;
	p0 =	por !p0, !p1  }
0xfd: {  	s10 =	simm.s32 $0x1;
	s9 =	sadd.s32 s16, s8;
	p0 =	por !p0, !p0  }
0xfe: {  	s7 =	sor.u32 s7, s11;
	s17 =	sshra.s32 s9, $0x4;
	s10 =	simm.s32 @!p0 $0x0  }
0xff: {  	v5 =	vld [tilespmem:s7+$0x0];
	s7 =	ssub.s32 s17, s10  }
0x100: {  	p0 =	sgt.s32 s7, $0x7F  }
.Ltmp14:
0x101: {  	_ = 	snop;
	(pc) =	sbr.rel @p0 .LBB2_26-.Ltmp14, $4  }
0x102: {  	_ = 	snop  }
0x103: {  	_ =	swait.ge [sflag:s23], $0x7D00  }
0x104: {  	[sflag:s23] =	ssyncset.done $0x0  }
0x105: {  	v6 =	vimm.f32 $0.0e+00;
	v7 =	vimm.f32 $0.0e+00;
	[sflag:s23] =	ssyncadd.s32 $0xFFFF8300  }
0x106: {  	s15 =	ssub.s32 $0x80, s7  }
0x107: {  	p1 =	sne.s32 s15, $0x1  }
.Ltmp15:
0x108: {  	s9 =	sand.u32 $0x3, s20;
	(pc) =	sbr.rel @!p1 .LBB2_21-.Ltmp15, $4  }
0x109: {  	s14 =	sshll.u32 s7, $0x2;
	s10 =	sshll.u32 s9, $0xA  }
0x10a: {  	s16 =	sshll.u32 s7, $0x4;
	s10 =	sadd.s32 s14, s10  }
0x10b: {  	p0 =	por $0x0, $0x0;
	s17 =	sshll.u32 s9, $0xC;
	s14 =	sshra.s32 s10, $0x2  }
0x10c: {  	v6 =	vmov s8;
	v7 =	vbroadcast v5, $0x0;
	v5 =	vimm.f32 $0.0e+00;
	s7 =	sadd.s32 $0xFFFFFFFF, s15;
	s10 =	sadd.s32 s16, s17;
	s9 =	sadd.s32 $0x4000, s14  }
0x10d: {  	s10 =	sand.u32 $0xFFFFFF80, s10;
	s14 =	sand.u32 $0x70, s16  }
0x10e: {  	s10 =	sor.u32 s14, s10  }
0x10f: {  	v8 =	vld [tilespmem:s10+$0x0]  }
0x110: {  	p1 =	sne.s32 s7, $0x1  }
.Ltmp16:
0x111: {  	_ = 	snop;
	(pc) =	sbr.rel @!p1 .LBB2_23-.Ltmp16, $3  }
0x112: {  	_ =	sdelay $0x1  }
0x113: {  	s15 =	sadd.s32 $0x10, s16;
	v11 =	vld.msk [tilespmem:s9+$0x0 ss:$0x0], $0xffff;
	s7 =	sadd.s32 $0xFFFFFFFF, s7  }
0x114: {  	p0 =	por $0x1, $0x1;
	v10 =	vimm.f32 $0.0e+00;
	v9 =	vimm.f32 $0.0e+00;
	s14 =	smov.u32 s9;
	s10 =	sadd.s32 s15, s17;
	v12 =	vmov v8  }
.LBB2_24:
0x115: {  	p1 =	sne.s32 s7, $0x1;
	s10 =	sand.u32 $0xFFFFFF80, s10;
	s2 =	sand.u32 $0x70, s15  }
0x116: {  	s2 =	sor.u32 s2, s10;
	v13 =	vld.idx.msk [tilespmem:v8+s26+$0x0], $0xffff  }
0x117: {  	v8 =	vld [tilespmem:s2+$0x0]  }
0x118: {  	v11 =	vand.u32 v3, v11  }
.Ltmp17:
0x119: {  	vm15 =	vne.s32 v12, v7;
	vm0 =	vne.s32 v11, $0x0;
	v11 =	vor.u32 s16, v0;
	s16 =	smov.u32 s15;
	(pc) =	sbr.rel @p1 .LBB2_24-.Ltmp17, $4  }
0x11a: {  	s14 =	sadd.s32 $0x1, s14;
	vm1 =	vge.s32 v11, v6;
	vm0 =	vmand vm0, vm15  }
0x11b: {  	vm0 =	vmand vm0, vm1;
	v11 =	vld.msk [tilespmem:s14+$0x0 ss:$0x0], $0xffff  }
0x11c: {  	s15 =	sadd.s32 $0x10, s15;
	v13 =	vnsel vm0, $0x0, v13;
	v14 =	vsel vm0, $0x3F800000, v4;
	v12 =	vmov v8  }
0x11d: {  	s7 =	sadd.s32 $0xFFFFFFFF, s7;
	s10 =	sadd.s32 s15, s17;
	v10 =	vadd.f32 v13, v10;
	v9 =	vadd.f32 v14, v9  }
.LBB2_25:
0x11e: {  	s2 =	sand.u32 $0xFFFFFF80, s10;
	s7 =	sand.u32 $0x70, s15  }
0x11f: {  	s2 =	sor.u32 s7, s2  }
0x120: {  	v13 =	vld [tilespmem:s2+$0x0];
	_ =	sdelay $0x1  }
0x121: {  	s2 =	sadd.s32 @p0 $0x1, s14  }
0x122: {  	v8 =	vld.idx.msk @p0 [tilespmem:v8+s26+$0x0], $0xffff;
	s9 =	smov.u32 @p0 s2  }
0x123: {  	v11 =	vand.u32 @p0 v3, v11;
	v14 =	vld.msk [tilespmem:s9+$0x0 ss:$0x0], $0xffff  }
0x124: {  	vm1 =	vne.s32 @p0 v12, v7;
	vm0 =	vne.s32 @p0 v11, $0x0;
	v11 =	vor.u32 @p0 s16, v0  }
0x125: {  	vm0 =	vmand @p0 vm0, vm1;
	vm1 =	vge.s32 @p0 v11, v6  }
0x126: {  	vm0 =	vmand @p0 vm0, vm1  }
0x127: {  	v63 =	vor.u32 s15, v0;
	v8 =	vnsel @p0 vm0, $0x0, v8;
	v61 =	vld.idx.msk [tilespmem:v13+s26+$0x0], $0xffff  }
0x128: {  	v8 =	vadd.f32 @p0 v8, v10;
	v10 =	vsel @p0 vm0, $0x3F800000, v4;
	v62 =	vand.u32 v3, v14  }
0x129: {  	vm1 =	vne.s32 v13, v7;
	v7 =	vadd.f32 @p0 v10, v9;
	vm0 =	vne.s32 v62, $0x0  }
0x12a: {  	vm15 =	vge.s32 v63, v6;
	vm0 =	vmand vm0, vm1  }
0x12b: {  	v6 =	vpsel p0, v8, v5;
	v5 =	vpsel p0, v7, v5;
	vm0 =	vmand vm0, vm15  }
0x12c: {  	vm1 =	vcmask $0x704;
	v8 =	vsel vm0, $0x3F800000, v4;
	v7 =	vnsel vm0, $0x0, v61  }
0x12d: {  	vm15 =	vcmask $0x2320;
	v6 =	vadd.f32 v7, v6;
	v7 =	vadd.f32 v8, v5  }
.LBB2_26:
0x12e: {  	_ = 	snop  }
0x12f: {  	(xrf2) =	vadd.scan.msk.f32 $0xffff, v6  }
0x130: {  	(xrf2) =	vadd.scan.msk.f32 $0xffff, v7;
	_ =	sdelay $0x3  }
0x131: {  	v5 =	vmov s25  }
0x132: {  	v5 =	vand.u32 $0xFFFFFFFE, v5  }
0x133: {  	v5 =	vbroadcast v5, $0x0;
	_ =	sdelay $0x2  }
0x134: {  	v6, _, _ =	vpop (xrf2)  }
0x135: {  	v6 =	vbroadcast v6, $0xF;
	v7, _, _ =	vpop (xrf2)  }
0x136: {  	v7 =	vbroadcast v7, $0xF  }
0x137: {  	[tilespmem:v5+s28+$0x0] =	vst.idx.msk $0x1, v6  }
0x138: {  	[tilespmem:v5+s29+$0x0] =	vst.idx.msk $0x1, v7  }
.LBB2_27:
0x139: {  	p0 =	seq.s32 s24, $0x3F  }
0x13a: {  	s2 =	sadd.s32 @!p0 $0x2, s25  }
0x13b: {  	s7 =	sshll.u32 @!p0 s2, $0x2  }
0x13c: {  	s7 =	sand.u32 @!p0 $0x3E0, s7  }
0x13d: {  	s7 =	sor.u32 @!p0 s6, s7  }
0x13e: {  	s9 =	sand.u32 @!p0 $0x6, s2;
	s10 =	sshll.u32 @!p0 s7, $0x3  }
0x13f: {  	s10 =	sor.u32 @!p0 s9, s10  }
0x140: {  	v5 =	vld @!p0 [tilespmem:s10+$0xC180];
	_ =	sdelay $0x4  }
0x141: {  	(v2sf) =	vpush @!p0 v5, $0x0;
	_ =	sdelay $0x5  }
0x142: {  	v5 =	vld @!p0 [tilespmem:s9+$0xD201];
	_ =	sdelay $0x4  }
0x143: {  	(v2sf) =	vpush @!p0 v5, $0x0;
	_ =	sdelay $0x3  }
0x144: {  	s10 =	spop @!p0 (v2sf)  }
0x145: {  	s14 =	sand.u32 @!p0 $0xF, s10  }
0x146: {  	p1 =	slt.s32 @!p0 s10, $0x1;
	p2 =	sne.s32 @!p0 s14, $0x0  }
0x147: {  	s14 =	sshra.s32 @!p0 s10, $0x1F;
	p1 =	por @!p0 !p1, !p2  }
0x148: {  	s14 =	sshrl.u32 @!p0 s14, $0x1C;
	p1 =	por @!p0 !p1, !p1  }
0x149: {  	s10 =	sadd.s32 @!p0 s14, s10;
	s14 =	simm.s32 @!p0 $0x1;
	p1 =	por !p1, p0  }
0x14a: {  	s10 =	sshra.s32 @!p0 s10, $0x4;
	s14 =	simm.s32 @p1 $0x0  }
0x14b: {  	s10 =	ssub.s32 @!p0 s10, s14  }
0x14c: {  	s14 =	smul.u32 @!p0 $0x3E800, s7;
	s15 =	sshll.u32 @!p0 s10, $0x7  }
0x14d: {  	s2 =	sshll.u32 @!p0 s2, $0x4;
	s10 =	sshll.u32 @!p0 s10, $0x4;
	s15 =	sand.u32 @!p0 $0xFFFFFC00, s15  }
0x14e: {  	s2 =	sand.u32 @!p0 $0x3FFFFFF0, s2;
	s10 =	sand.u32 @!p0 $0x70, s10;
	s15 =	sadd.s32 @!p0 s14, s15  }
0x14f: {  	s9 =	sshll.u32 @!p0 s9, $0x7;
	s10 =	sor.u32 @!p0 s10, s15;
	s15 =	spop @!p0 (v2sf)  }
0x150: {  	s7 =	sadd.s32 @!p0 s4, s7;
	s10 =	sor.u32 @!p0 s9, s10;
	s15 =	sadd.s32 @!p0 $0xFFFFFFFE, s15  }
0x151: {  	s2 =	sadd.s32 @!p0 $0xD280, s2;
	s10 =	sshrl.u32 @!p0 s10, $0x3;
	p1 =	sge.s32 @!p0 s7, s15  }
0x152: {  	s7 =	sadd.s32 @!p0 s1, s10;
	s10 =	simm.s32 @!p0 $0x0;
	p1 =	por p1, p0  }
0x153: {  	[tilespmem:s2], [sflag:$0x3] =	stream.linear.gather @!p0 [hbm4b:s7+s10], $0x10, $0x38;
	[tilespmem:$0x1D600] =	vst v63  }
0x154: {  	s2 =	sor.u32 @!p1 s9, s14  }
0x155: {  	s7 =	simm.s32 @!p1 $0x80;
	s9 =	simm.s32 @!p1 $0x400;
	s2 =	sshrl.u32 @!p1 s2, $0x3  }
0x156: {  	s10 =	simm.s32 @!p1 $0xDC00;
	s14 =	sor.u32 $0x1, s25;
	s2 =	sadd.s32 @!p1 s1, s2  }
0x157: {  	[tilespmem:s10], [sflag:$0x1] =	stream.strided.gather @!p1 [hbm4b:s2+s7], $0x7D00, s9, s7, $0x38;
	[tilespmem:$0x1D600] =	vst v63  }
0x158: {  	s7 =	sand.u32 $0x7, s14  }
0x159: {  	v5 =	vld [tilespmem:s7+$0xD201];
	_ =	sdelay $0x4  }
0x15a: {  	(v2sf) =	vpush v5, $0x0;
	_ =	sdelay $0xe  }
0x15b: {  	s17 =	spop (v2sf)  }
0x15c: {  	s2 =	sadd.s32 $0xFFFFFFFE, s17  }
0x15d: {  	p1 =	sge.s32 s8, s2  }
.Ltmp18:
0x15e: {  	_ = 	snop;
	(pc) =	sbr.rel @p1 .LBB2_36-.Ltmp18, $1  }
0x15f: {  	_ =	sdelay $0x3  }
0x160: {  	s2 =	sand.u32 $0xF, s8  }
0x161: {  	p2 =	slt.s32 s8, $0x1;
	p1 =	sne.s32 s2, $0x0  }
0x162: {  	s15 =	sadd.s32 s7, s11;
	s16 =	sshrl.u32 s12, $0x1C;
	p1 =	por !p2, !p1  }
0x163: {  	s9 =	simm.s32 $0x1;
	s7 =	sadd.s32 s16, s8;
	p1 =	por !p1, !p1  }
0x164: {  	s17 =	sshra.s32 s7, $0x4;
	s9 =	simm.s32 @!p1 $0x0  }
0x165: {  	s7 =	ssub.s32 s17, s9  }
0x166: {  	p1 =	sgt.s32 s7, $0x7F  }
.Ltmp19:
0x167: {  	_ = 	snop;
	(pc) =	sbr.rel @p1 .LBB2_35-.Ltmp19, $4  }
0x168: {  	_ = 	snop  }
0x169: {  	v5 =	vld [tilespmem:s15+$0x0];
	_ =	swait.ge [sflag:s30], $0x7D00  }
0x16a: {  	[sflag:s30] =	ssyncset.done $0x0  }
0x16b: {  	v6 =	vimm.f32 $0.0e+00;
	v7 =	vimm.f32 $0.0e+00;
	[sflag:s30] =	ssyncadd.s32 $0xFFFF8300  }
0x16c: {  	s17 =	ssub.s32 $0x80, s7  }
0x16d: {  	p2 =	sne.s32 s17, $0x1  }
.Ltmp20:
0x16e: {  	s2 =	sand.u32 $0x7, s19;
	(pc) =	sbr.rel @!p2 .LBB2_30-.Ltmp20, $4  }
0x16f: {  	s10 =	sshll.u32 s7, $0x2;
	s9 =	sshll.u32 s2, $0x9  }
0x170: {  	s12 =	sshll.u32 s7, $0x4;
	s2 =	sshll.u32 s2, $0xB;
	s9 =	sadd.s32 s10, s9  }
0x171: {  	p1 =	por $0x0, $0x0;
	s15 =	sadd.s32 $0x800, s2;
	s16 =	sshra.s32 s9, $0x2  }
0x172: {  	v6 =	vmov s8;
	s7 =	sadd.s32 $0xFFFFFFFF, s17;
	v7 =	vbroadcast v5, $0x0;
	v5 =	vimm.f32 $0.0e+00;
	s10 =	sadd.s32 s12, s15;
	s11 =	sadd.s32 $0x4080, s16  }
0x173: {  	s2 =	sand.u32 $0xFFFFFF80, s10;
	s8 =	sand.u32 $0x70, s12  }
0x174: {  	s2 =	sor.u32 s8, s2  }
0x175: {  	v8 =	vld [tilespmem:s2+$0x0]  }
0x176: {  	p2 =	sne.s32 s7, $0x1  }
.Ltmp21:
0x177: {  	_ = 	snop;
	(pc) =	sbr.rel @!p2 .LBB2_32-.Ltmp21, $3  }
0x178: {  	_ =	sdelay $0x1  }
0x179: {  	v11 =	vld.msk [tilespmem:s11+$0x0 ss:$0x0], $0xffff;
	s7 =	sadd.s32 $0xFFFFFFFF, s7;
	s8 =	sadd.s32 $0x10, s12  }
0x17a: {  	p1 =	por $0x1, $0x1;
	s9 =	smov.u32 s11;
	v10 =	vimm.f32 $0.0e+00;
	v9 =	vimm.f32 $0.0e+00;
	s10 =	sadd.s32 s8, s15;
	v12 =	vmov v8  }
.LBB2_33:
0x17b: {  	p2 =	sne.s32 s7, $0x1;
	s2 =	sand.u32 $0xFFFFFF80, s10;
	s10 =	sand.u32 $0x70, s8  }
0x17c: {  	s2 =	sor.u32 s10, s2;
	v13 =	vld.idx.msk [tilespmem:v8+s31+$0x0], $0xffff  }
0x17d: {  	v8 =	vld [tilespmem:s2+$0x0]  }
0x17e: {  	v11 =	vand.u32 v3, v11  }
.Ltmp22:
0x17f: {  	vm1 =	vne.s32 v12, v7;
	vm0 =	vne.s32 v11, $0x0;
	v11 =	vor.u32 s12, v0;
	s12 =	smov.u32 s8;
	(pc) =	sbr.rel @p2 .LBB2_33-.Ltmp22, $4  }
0x180: {  	s9 =	sadd.s32 $0x1, s9;
	vm15 =	vge.s32 v11, v6;
	vm0 =	vmand vm0, vm1  }
0x181: {  	vm0 =	vmand vm0, vm15;
	v11 =	vld.msk [tilespmem:s9+$0x0 ss:$0x0], $0xffff  }
0x182: {  	s8 =	sadd.s32 $0x10, s8;
	v13 =	vnsel vm0, $0x0, v13;
	v14 =	vsel vm0, $0x3F800000, v4;
	v12 =	vmov v8  }
0x183: {  	s7 =	sadd.s32 $0xFFFFFFFF, s7;
	s10 =	sadd.s32 s8, s15;
	v10 =	vadd.f32 v13, v10;
	v9 =	vadd.f32 v14, v9  }
.LBB2_34:
0x184: {  	s2 =	sand.u32 $0xFFFFFF80, s10;
	s7 =	sand.u32 $0x70, s8  }
0x185: {  	s2 =	sor.u32 s7, s2  }
0x186: {  	v13 =	vld [tilespmem:s2+$0x0];
	_ =	sdelay $0x1  }
0x187: {  	s2 =	sadd.s32 @p1 $0x1, s9  }
0x188: {  	v8 =	vld.idx.msk @p1 [tilespmem:v8+s31+$0x0], $0xffff;
	s11 =	smov.u32 @p1 s2  }
0x189: {  	v11 =	vand.u32 @p1 v3, v11;
	v14 =	vld.msk [tilespmem:s11+$0x0 ss:$0x0], $0xffff  }
0x18a: {  	vm1 =	vne.s32 @p1 v12, v7;
	vm0 =	vne.s32 @p1 v11, $0x0;
	v11 =	vor.u32 @p1 s12, v0  }
0x18b: {  	vm0 =	vmand @p1 vm0, vm1;
	vm1 =	vge.s32 @p1 v11, v6  }
0x18c: {  	vm0 =	vmand @p1 vm0, vm1  }
0x18d: {  	v63 =	vor.u32 s8, v0;
	v8 =	vnsel @p1 vm0, $0x0, v8;
	v61 =	vld.idx.msk [tilespmem:v13+s31+$0x0], $0xffff  }
0x18e: {  	v8 =	vadd.f32 @p1 v8, v10;
	v10 =	vsel @p1 vm0, $0x3F800000, v4;
	v62 =	vand.u32 v3, v14  }
0x18f: {  	vm1 =	vne.s32 v13, v7;
	v7 =	vadd.f32 @p1 v10, v9;
	vm0 =	vne.s32 v62, $0x0  }
0x190: {  	vm15 =	vge.s32 v63, v6;
	vm0 =	vmand vm0, vm1  }
0x191: {  	v6 =	vpsel p1, v8, v5;
	v5 =	vpsel p1, v7, v5;
	vm0 =	vmand vm0, vm15  }
0x192: {  	vm1 =	vcmask $0x704;
	v8 =	vsel vm0, $0x3F800000, v4;
	v7 =	vnsel vm0, $0x0, v61  }
0x193: {  	vm15 =	vcmask $0x2320;
	v6 =	vadd.f32 v7, v6;
	v7 =	vadd.f32 v8, v5  }
.LBB2_35:
0x194: {  	_ = 	snop  }
0x195: {  	(xrf2) =	vadd.scan.msk.f32 $0xffff, v6  }
0x196: {  	(xrf2) =	vadd.scan.msk.f32 $0xffff, v7;
	_ =	sdelay $0x6  }
0x197: {  	v5 =	vmov s14;
	_ =	sdelay $0x1  }
0x198: {  	v6, _, _ =	vpop (xrf2)  }
0x199: {  	v6 =	vbroadcast v6, $0xF;
	v7, _, _ =	vpop (xrf2)  }
0x19a: {  	v7 =	vbroadcast v7, $0xF  }
0x19b: {  	[tilespmem:v5+s28+$0x0] =	vst.idx.msk $0x1, v6  }
0x19c: {  	[tilespmem:v5+s29+$0x0] =	vst.idx.msk $0x1, v7  }
.LBB2_36:
.Ltmp23:
0x19d: {  	(pc) =	sbr.rel @p0 .LBB2_37-.Ltmp23, $1  }
0x19e: {  	_ =	sdelay $0x3  }
0x19f: {  	s2 =	sadd.s32 $0x3, s25  }
0x1a0: {  	s7 =	sshll.u32 s2, $0x2  }
0x1a1: {  	s7 =	sand.u32 $0x3E0, s7  }
0x1a2: {  	s7 =	sor.u32 s6, s7  }
0x1a3: {  	s8 =	sand.u32 $0x7, s2;
	s9 =	sshll.u32 s7, $0x3  }
0x1a4: {  	s9 =	sor.u32 s9, s8  }
0x1a5: {  	v5 =	vld [tilespmem:s9+$0xC180];
	_ =	sdelay $0x4  }
0x1a6: {  	(v2sf) =	vpush v5, $0x0;
	_ =	sdelay $0x6  }
0x1a7: {  	v5 =	vld [tilespmem:s8+$0xD201];
	_ =	sdelay $0x4  }
0x1a8: {  	(v2sf) =	vpush v5, $0x0;
	_ =	sdelay $0x2  }
0x1a9: {  	s12 =	spop (v2sf)  }
0x1aa: {  	s14 =	sand.u32 $0xF, s12  }
0x1ab: {  	s10 =	sshra.s32 s12, $0x1F;
	p0 =	slt.s32 s12, $0x1;
	p1 =	sne.s32 s14, $0x0  }
0x1ac: {  	s15 =	sshrl.u32 s10, $0x1C;
	p0 =	por !p0, !p1  }
0x1ad: {  	s9 =	simm.s32 $0x1;
	s8 =	sadd.s32 s15, s12;
	p0 =	por !p0, !p0  }
0x1ae: {  	s8 =	sshra.s32 s8, $0x4;
	s9 =	simm.s32 @!p0 $0x0  }
0x1af: {  	s8 =	ssub.s32 s8, s9  }
0x1b0: {  	s9 =	smul.u32 $0x3E800, s7;
	s16 =	sshll.u32 s8, $0x7  }
0x1b1: {  	s8 =	sshll.u32 s8, $0x4;
	s10 =	sand.u32 $0xFFFFFC00, s16  }
0x1b2: {  	s11 =	sshll.u32 s2, $0x7;
	s8 =	sand.u32 $0x70, s8;
	s10 =	sadd.s32 s9, s10  }
0x1b3: {  	s2 =	sshll.u32 s2, $0x4;
	s11 =	sand.u32 $0x380, s11;
	s8 =	sor.u32 s8, s10  }
0x1b4: {  	s2 =	sand.u32 $0x3FFFFFF0, s2;
	s8 =	sor.u32 s11, s8  }
0x1b5: {  	s2 =	sadd.s32 $0xD280, s2;
	s17 =	spop (v2sf);
	s8 =	sshrl.u32 s8, $0x3  }
0x1b6: {  	s7 =	sadd.s32 s4, s7;
	s10 =	sadd.s32 $0xFFFFFFFE, s17;
	s25 =	sadd.s32 s1, s8  }
0x1b7: {  	[tilespmem:s2], [sflag:$0x3] =	stream.linear.gather [hbm4b:s25+s5], $0x10, $0x38;
	[tilespmem:$0x1D600] =	vst v63  }
.Ltmp24:
0x1b8: {  	p0 =	sge.s32 s7, s10;
	(pc) =	sbr.rel .LBB2_18-.Ltmp24, $4  }
0x1b9: {  	s24 =	sadd.s32 $0x1, s24;
	s20 =	sadd.s32 $0x1, s20;
	s2 =	sor.u32 @!p0 s11, s9  }
0x1ba: {  	s19 =	sadd.s32 $0x2, s19;
	s7 =	simm.s32 @!p0 $0x80;
	s2 =	sshrl.u32 @!p0 s2, $0x3  }
0x1bb: {  	s8 =	simm.s32 @!p0 $0x400;
	s9 =	simm.s32 @!p0 $0x15900;
	s2 =	sadd.s32 @!p0 s1, s2  }
0x1bc: {  	[tilespmem:s9], [sflag:$0x2] =	stream.strided.gather @!p0 [hbm4b:s2+s7], $0x7D00, s8, s7, $0x38;
	[tilespmem:$0x1D600] =	vst v63  }
.LBB2_21:
.Ltmp25:
0x1bd: {  	(pc) =	sbr.rel .LBB2_25-.Ltmp25, $2  }
0x1be: {  	_ =	sdelay $0x2  }
0x1bf: {  	s15 =	smov.u32 s16;
	s14 =	smov.u32 s9;
	v10 =	vimm.f32 $0.0e+00;
	v9 =	vimm.f32 $0.0e+00  }
.LBB2_30:
.Ltmp26:
0x1c0: {  	(pc) =	sbr.rel .LBB2_34-.Ltmp26, $2  }
0x1c1: {  	_ =	sdelay $0x2  }
0x1c2: {  	s8 =	smov.u32 s12;
	s9 =	smov.u32 s11;
	v10 =	vimm.f32 $0.0e+00;
	v9 =	vimm.f32 $0.0e+00  }
.LBB2_23:
.Ltmp27:
0x1c3: {  	(pc) =	sbr.rel .LBB2_25-.Ltmp27, $2  }
0x1c4: {  	_ =	sdelay $0x2  }
0x1c5: {  	v12 =	vmov v8;
	s14 =	smov.u32 s9;
	v10 =	vimm.f32 $0.0e+00;
	v9 =	vimm.f32 $0.0e+00  }
.LBB2_32:
.Ltmp28:
0x1c6: {  	(pc) =	sbr.rel .LBB2_34-.Ltmp28, $2  }
0x1c7: {  	_ =	sdelay $0x2  }
0x1c8: {  	v12 =	vmov v8;
	s9 =	smov.u32 s11;
	v10 =	vimm.f32 $0.0e+00;
	v9 =	vimm.f32 $0.0e+00  }
.LBB2_37:
0x1c9: {  	s7 =	simm.s32 $0x0  }
0x1ca: {  	s2 =	sand.u32 $0xF00, s7  }
0x1cb: {  	s8 =	sand.u32 $0x7, s7;
	s2 =	sadd.s32 s2, s13  }
0x1cc: {  	s2 =	sadd.s32 s8, s2  }
0x1cd: {  	v5 =	vld [tilespmem:s2+$0x0];
	_ =	sdelay $0x4  }
0x1ce: {  	(v2sf) =	vpush v5, $0x0;
	_ =	sdelay $0xe  }
0x1cf: {  	s20 =	spop (v2sf)  }
0x1d0: {  	s4 =	simm.s32 $0xD280;
	s24 =	sshra.s32 s20, $0x1F;
	s9 =	sand.u32 $0xF, s20  }
0x1d1: {  	p0 =	slt.s32 s20, $0x1;
	_ =	swait.ge [sflag:s0], $0x10;
	p1 =	sne.s32 s9, $0x0  }
0x1d2: {  	s8 =	sshrl.u32 s24, $0x1C;
	[sflag:s0] =	ssyncset.done $0x0;
	p0 =	por !p0, !p1  }
0x1d3: {  	s9 =	simm.s32 $0x1;
	s8 =	sadd.s32 s8, s20;
	p0 =	por !p0, !p0  }
0x1d4: {  	[sflag:s0] =	ssyncadd.s32 $0xFFFFFFF0;
	s8 =	sshrl.u32 s8, $0x4;
	s9 =	simm.s32 @!p0 $0x0  }
0x1d5: {  	v5 =	vld [tilespmem:s4+$0x0];
	s8 =	ssub.s32 s9, s8  }
0x1d6: {  	s8 =	sshll.u32 s8, $0x4  }
0x1d7: {  	s2 =	sadd.s32 s20, s8  }
0x1d8: {  	v6 =	vmov s2  }
0x1d9: {  	vm0 =	veq.s32 v6, v0  }
0x1da: {  	v5 =	vnsel vm0, $0x0, v5  }
0x1db: {  	(xrf2) =	vadd.scan.msk.f32 $0xffff, v5;
	_ =	sdelay $0x7  }
0x1dc: {  	v5 =	vmov s7  }
0x1dd: {  	s11 =	simm.s32 $0x20  }
0x1de: {  	s25 =	sand.u32 $0xF00, s11;
	s8 =	simm.s32 $0x1;
	v6, _, _ =	vpop (xrf2)  }
0x1df: {  	s10 =	sadd.s32 s25, s13;
	s9 =	simm.s32 $0x2;
	s7 =	sand.u32 $0x7, s8;
	v6 =	vbroadcast v6, $0xF  }
.LBB2_38:
0x1e0: {  	s2 =	sadd.s32 s7, s10  }
0x1e1: {  	[tilespmem:v5+s3+$0x0] =	vst.idx.msk $0x1, v6;
	s4 =	sadd.s32 $0x10, s4;
	s14 =	smov.u32 s9;
	s12 =	sadd.s32 $0x1, s9  }
0x1e2: {  	p0 =	sne.s32 s9, $0x7F;
	v5 =	vld [tilespmem:s2+$0x0];
	_ =	sdelay $0x4  }
0x1e3: {  	(v2sf) =	vpush v5, $0x0;
	_ =	sdelay $0xe  }
0x1e4: {  	s2 =	spop (v2sf)  }
0x1e5: {  	s7 =	sshra.s32 s2, $0x1F;
	s9 =	sand.u32 $0xF, s2  }
0x1e6: {  	p1 =	slt.s32 s2, $0x1;
	s7 =	sshrl.u32 s7, $0x1C;
	p2 =	sne.s32 s9, $0x0  }
0x1e7: {  	s7 =	sadd.s32 s7, s2;
	p1 =	por !p1, !p2;
	_ =	swait.ge [sflag:s0], $0x10  }
0x1e8: {  	s9 =	simm.s32 $0x1;
	p1 =	por !p1, !p1;
	[sflag:s0] =	ssyncset.done $0x0  }
0x1e9: {  	s7 =	sshrl.u32 s7, $0x4;
	s9 =	simm.s32 @!p1 $0x0;
	[sflag:s0] =	ssyncadd.s32 $0xFFFFFFF0  }
0x1ea: {  	s7 =	ssub.s32 s9, s7;
	v5 =	vld [tilespmem:s4+$0x0]  }
0x1eb: {  	s7 =	sshll.u32 s7, $0x4  }
0x1ec: {  	s2 =	sadd.s32 s2, s7  }
0x1ed: {  	v6 =	vmov s2  }
0x1ee: {  	vm0 =	veq.s32 v6, v0  }
0x1ef: {  	v5 =	vnsel vm0, $0x0, v5  }
0x1f0: {  	(xrf2) =	vadd.scan.msk.f32 $0xffff, v5;
	_ =	sdelay $0x7  }
.Ltmp29:
0x1f1: {  	v5 =	vmov s8;
	s8 =	smov.u32 s14;
	(pc) =	sbr.rel @p0 .LBB2_38-.Ltmp29, $4  }
0x1f2: {  	_ = 	snop  }
0x1f3: {  	s11 =	sadd.s32 $0x20, s11;
	v6, _, _ =	vpop (xrf2)  }
0x1f4: {  	s2 =	sand.u32 $0xF00, s11;
	v6 =	vbroadcast v6, $0xF  }
0x1f5: {  	s9 =	smov.u32 s12;
	s10 =	sadd.s32 s2, s13;
	s7 =	sand.u32 $0x7, s8  }
0x1f6: {  	_ =	sdelay $0x3  }
0x1f7: {  	s2 =	sadd.s32 s7, s10;
	[tilespmem:v5+s3+$0x0] =	vst.idx.msk $0x1, v6  }
0x1f8: {  	v5 =	vld [tilespmem:s2+$0x0];
	_ =	sdelay $0x4  }
0x1f9: {  	(v2sf) =	vpush v5, $0x0;
	_ =	sdelay $0xe  }
0x1fa: {  	s14 =	spop (v2sf)  }
0x1fb: {  	s4 =	sadd.s32 $0x10, s4;
	s15 =	sshra.s32 s14, $0x1F;
	s9 =	sand.u32 $0xF, s14  }
0x1fc: {  	p0 =	slt.s32 s14, $0x1;
	_ =	swait.ge [sflag:s0], $0x10;
	p1 =	sne.s32 s9, $0x0  }
0x1fd: {  	s7 =	sshrl.u32 s15, $0x1C;
	[sflag:s0] =	ssyncset.done $0x0;
	p0 =	por !p0, !p1  }
0x1fe: {  	s9 =	simm.s32 $0x1;
	s7 =	sadd.s32 s7, s14;
	p0 =	por !p0, !p0  }
0x1ff: {  	[sflag:s0] =	ssyncadd.s32 $0xFFFFFFF0;
	s7 =	sshrl.u32 s7, $0x4;
	s9 =	simm.s32 @!p0 $0x0  }
0x200: {  	v5 =	vld [tilespmem:s4+$0x0];
	s7 =	ssub.s32 s9, s7  }
0x201: {  	s16 =	sshll.u32 s7, $0x4  }
0x202: {  	s2 =	sadd.s32 s14, s16  }
0x203: {  	v6 =	vmov s2  }
0x204: {  	vm0 =	veq.s32 v6, v0  }
0x205: {  	v5 =	vnsel vm0, $0x0, v5  }
0x206: {  	(xrf2) =	vadd.scan.msk.f32 $0xffff, v5;
	_ =	sdelay $0x7  }
0x207: {  	v5 =	vmov s8;
	_ =	sdelay $0x1  }
0x208: {  	v6, _, _ =	vpop (xrf2)  }
0x209: {  	v6 =	vbroadcast v6, $0xF;
	_ =	sdelay $0x1  }
0x20a: {  	s17 =	rddreg [dreg:$0xb];
	[tilespmem:v5+s3+$0x0] =	vst.idx.msk $0x1, v6  }
0x20b: {  	[hbm4b:s17+s5] =	stream.linear.scatter [tilespmem:s28], [sflag:$0x4], $0x80, $0x38;
	[tilespmem:$0x1D600] =	vst v63  }
0x20c: {  	_ =	swait.ge [sflag:s18], $0x80  }
0x20d: {  	[sflag:s18] =	ssyncset.done $0x0  }
0x20e: {  	s19 =	rddreg [dreg:$0xc];
	[sflag:s18] =	ssyncadd.s32 $0xFFFFFF80  }
0x20f: {  	[hbm4b:s19+s5] =	stream.linear.scatter [tilespmem:s29], [sflag:$0x4], $0x80, $0x38;
	[tilespmem:$0x1D600] =	vst v63  }
0x210: {  	_ =	swait.ge [sflag:s18], $0x80  }
0x211: {  	[sflag:s18] =	ssyncset.done $0x0  }
0x212: {  	s20 =	rddreg [dreg:$0xd];
	[sflag:s18] =	ssyncadd.s32 $0xFFFFFF80  }
0x213: {  	[hbm4b:s20+s5] =	stream.linear.scatter [tilespmem:s3], [sflag:$0x4], $0x80, $0x38;
	[tilespmem:$0x1D600] =	vst v63  }
0x214: {  	_ =	swait.ge [sflag:s18], $0x80  }
0x215: {  	s24 =	rddreg [dreg:$0xf]  }
0x216: {  	s25 =	rddreg [dreg:$0xe];
	s4 =	sadd.s32 $0x1, s24  }
0x217: {  	p0 =	sne.s32 s4, s25  }
.Ltmp30:
0x218: {  	_ = 	snop;
	(pc) =	sbr.rel @p0 .LBB2_1-.Ltmp30, $3  }
0x219: {  	_ =	sdelay $0x1  }
0x21a: {  	[sflag:s18] =	ssyncset.done $0x0  }
0x21b: {  	[sflag:s18] =	ssyncadd.s32 $0xFFFFFF80  }
0x21c: {  	_ =	sfence.sel $0x180000  }
0x21d: {  	[bflag:$0x0] =	sbarrier.arrive $0xFFFF  }
0x21e: {  	_ =	strace $0x90000047  }
0x21f: {  	s0 =	stileid.u32;
	[bflag:$0x2] =	sbarrier.arrive $0xFFFF  }
0x220: {  	p0 =	sne.s32 s0, $0x0;
	s0 =	rddreg [dreg:$0x4]  }
0x221: {  	s0 =	sadd.s32 @!p0 $0x100000, s0  }
0x222: {  	[sflag:s0] =	ssyncadd.tile.s32 @!p0 $0x1;
	_ =	shalt  }
.Lfunc_end2:
_tile_overlayer_lowered:
.L_overlay_start_2:
0x223: {  	(tag) =	ssettag $0x2  }
0x224: {  	s0 =	rddreg [dreg:$0x0];
	s2 =	stileid.u32  }
0x225: {  	s1 =	rddreg [dreg:$0x1];
	p0 =	sne.s32 s2, $0x0  }
0x226: {  	s3 =	rddreg [dreg:$0x2];
	[bflag:$0x3] =	sbarrier.arrive $0xFFFF;
	s2 =	simm.s32 @!p0 $0x1C04  }
0x227: {  	[timem:s3], [sflag:s2] =	dma.local @!p0 [hbm:s0], s1  }
0x228: {  	s0 =	simm.s32 @!p0 $0x4  }
0x229: {  	_ =	swait.ge @!p0 [sflag:s0], s1  }
0x22a: {  	s1 =	ssub.s32 @!p0 $0x0, s1;
	[sflag:s0] =	ssyncset.done @!p0 $0x0  }
0x22b: {  	[sflag:s0] =	ssyncadd.s32 @!p0 s1  }
0x22c: {  	[bflag:$0x3] =	sbarrier.arrive $0xFFFF  }
0x22d: {  	_ =	shalt  }

</sc_bundles>
